<compile_context>
chip_gen: v7x
topology: tpu7x:2x2x1
jax: 0.10.2.dev20260603
libtpu: 0.0.44.dev20260713+nightly
codegen_flags: <defaults>
</compile_context>

<pallas_src>
import functools

import jax
import jax.numpy as jnp
from jax import lax
from jax.experimental import pallas as pl
from jax.experimental.pallas import tpu as pltpu
from jax.experimental.pallas import tpu_sc as plsc

_BATCH = 16384
_FEAT = 64
_NCLASS = 100000

_NC = 2
_NS = 16
_NW = _NC * _NS
_FPW = _FEAT // _NW
_XCH = 4096
_NXCH = _BATCH // _XCH


def _sc_partials(xt, labels, ct):
    mesh = plsc.VectorSubcoreMesh(core_axis_name="c", subcore_axis_name="s")

    @functools.partial(
        pl.kernel,
        mesh=mesh,
        compiler_params=pltpu.CompilerParams(needs_layout_passes=False),
        out_type=jax.ShapeDtypeStruct((_NW, 128), jnp.float32),
        scratch_types=[
            pltpu.VMEM((_BATCH,), jnp.int32),
            pltpu.VMEM((_NCLASS,), jnp.float32),
            pltpu.VMEM((_XCH,), jnp.float32),
            pltpu.VMEM((_XCH,), jnp.float32),
            pltpu.VMEM((128,), jnp.float32),
            pltpu.VMEM_SHARED((_BATCH,), jnp.int32),
            pltpu.SemaphoreType.DMA,
            pltpu.SemaphoreType.DMA,
            pltpu.SemaphoreType.DMA,
            pltpu.SemaphoreType.DMA,
        ],
    )
    def k(xt_hbm, lab_hbm, ct_hbm, out_hbm, lab_v, ct_v, x0_v, x1_v, acc_v,
          lab_sh, sem_l, sem_c, sem_x0, sem_x1):
        sid = lax.axis_index("s")
        wid = sid * _NC + lax.axis_index("c")
        bufs = (x0_v, x1_v)
        sems = (sem_x0, sem_x1)

        def do_feature(f, acc, cp0):
            cps = {0: cp0}
            for h in range(_NXCH):
                if h + 1 < _NXCH:
                    cps[h + 1] = pltpu.async_copy(
                        xt_hbm.at[f, pl.ds((h + 1) * _XCH, _XCH)],
                        bufs[(h + 1) % 2],
                        sems[(h + 1) % 2],
                    )
                cps[h].wait()
                xbuf = bufs[h % 2]

                def group4(g, a, base=h * _XCH):
                    for u in range(4):
                        off = g * 64 + u * 16
                        idx = lab_v[pl.ds(base + off, 16)]
                        cv = plsc.load_gather(ct_v, [idx])
                        xv = xbuf[pl.ds(off, 16)]
                        d = xv - cv
                        a = a + d * d
                    return a

                acc = lax.fori_loop(0, _XCH // 64, group4, acc)
            return acc

        acc = jnp.zeros((16,), jnp.float32)
        f0 = wid * _FPW
        cp_c = pltpu.async_copy(ct_hbm.at[f0], ct_v, sem_c)
        cp_x = pltpu.async_copy(xt_hbm.at[f0, pl.ds(0, _XCH)], x0_v, sem_x0)

        @pl.when(sid == 0)
        def _():
            pltpu.sync_copy(lab_hbm, lab_sh)

        plsc.subcore_barrier()
        cp_l = pltpu.async_copy(lab_sh, lab_v, sem_l)
        cp_l.wait()
        cp_c.wait()
        acc = do_feature(f0, acc, cp_x)
        for i in range(1, _FPW):
            f = f0 + i
            cp_c = pltpu.async_copy(ct_hbm.at[f], ct_v, sem_c)
            cp_x = pltpu.async_copy(xt_hbm.at[f, pl.ds(0, _XCH)], x0_v, sem_x0)
            cp_c.wait()
            acc = do_feature(f, acc, cp_x)

        z = jnp.zeros((16,), jnp.float32)
        for j in range(8):
            acc_v[pl.ds(j * 16, 16)] = z
        acc_v[pl.ds(0, 16)] = acc
        pltpu.sync_copy(acc_v, out_hbm.at[wid])

    return k(xt, labels, ct)


def _tc_reduce(p_ref, o_ref):
    o_ref[0, 0] = jnp.sum(p_ref[...]) * (1.0 / _BATCH)


def kernel(x, labels, centers):
    partials = _sc_partials(x.T, labels.astype(jnp.int32), centers.T)
    loss = pl.pallas_call(
        _tc_reduce,
        out_shape=jax.ShapeDtypeStruct((1, 1), jnp.float32),
        out_specs=pl.BlockSpec(memory_space=pltpu.SMEM),
    )(partials)
    return loss[0, 0]

# --- scband reference (transcript-rebuilt; emitter-appended) ---
"""Pipeline reference for scband-center-loss-42477226557443 (READ-ONLY COPY).

The authoritative reference and input builder live on the scoring server;
editing this copy changes nothing except your own understanding.
"""

import jax, jax.numpy as jnp
import numpy as np

NUM_CLASS = 100000
NUM_FEATURE = 64
BATCH = 16384
CLAMP_MIN = 1e-12
CLAMP_MAX = 1000000000000.0


def setup_inputs(seed: int = 0) -> dict:
    key = jax.random.key(seed)
    k1, k2, k3 = jax.random.split(key, 3)
    x = jax.random.normal(k1, (BATCH, NUM_FEATURE), dtype=jnp.float32)
    labels = jax.random.randint(k2, (BATCH,), 0, NUM_CLASS, dtype=jnp.int64 if jax.config.jax_enable_x64 else jnp.int32)
    centers = jax.random.normal(k3, (NUM_CLASS, NUM_FEATURE), dtype=jnp.float32)
    return {"x": x, "labels": labels, "centers": centers}


def reference(x, labels, centers):
    # center = self.centers[labels]  -> gather rows of the centers table
    center = jnp.take(centers, labels, axis=0)
    # dist = (x - center).pow(2).sum(dim=-1)
    dist = jnp.sum((x - center) ** 2, axis=-1)
    # loss = clamp(dist, min, max).mean(dim=-1)
    loss = jnp.mean(jnp.clip(dist, CLAMP_MIN, CLAMP_MAX), axis=-1)
    return loss

if __name__ == "__main__":
    import jax
    _d = setup_inputs()
    print(jax.jit(kernel)(*tuple(_d.values())))

</pallas_src>

<mosaic_0001>
#map = affine_map<(d0, d1) -> (0, 0)>
#map1 = affine_map<(d0, d1) -> (0)>
module attributes {stable_mosaic.version = 14 : i64} {
  func.func @k(%arg0: i32, %arg1: i32, %arg2: memref<64x16384xf32, #tpu.memory_space<hbm>>, %arg3: memref<16384xi32, #tpu.memory_space<hbm>>, %arg4: memref<64x100000xf32, #tpu.memory_space<hbm>>, %arg5: memref<32x128xf32, #tpu.memory_space<hbm>>, %arg6: memref<16384xi32, #tpu.memory_space<vmem>>, %arg7: memref<100000xf32, #tpu.memory_space<vmem>>, %arg8: memref<4096xf32, #tpu.memory_space<vmem>>, %arg9: memref<4096xf32, #tpu.memory_space<vmem>>, %arg10: memref<128xf32, #tpu.memory_space<vmem>>, %arg11: memref<16384xi32, #tpu.memory_space<vmem_shared>>, %arg12: memref<!tpu.dma_semaphore, #tpu.memory_space<semaphore_mem>>, %arg13: memref<!tpu.dma_semaphore, #tpu.memory_space<semaphore_mem>>, %arg14: memref<!tpu.dma_semaphore, #tpu.memory_space<semaphore_mem>>, %arg15: memref<!tpu.dma_semaphore, #tpu.memory_space<semaphore_mem>>) attributes {dimension_semantics = [#tpu.dimension_semantics<core_parallel>, #tpu.dimension_semantics<subcore_parallel>], iteration_bounds = array<i64: 2, 16>, scalar_prefetch = 0 : i64, scratch_operands = 10 : i64, tpu.core_type = #tpu.core_type<sc_vector_subcore>, window_params = [{transform_indices = #map}, {transform_indices = #map1}, {transform_indices = #map}, {transform_indices = #map}]} {
    %mul3A = arith.constant 2 : i32
    %mul3A_0 = arith.muli %arg1, %mul3A : i32
    %add3A = arith.addi %mul3A_0, %arg0 : i32
    %broadcast_in_dim3A = arith.constant 0.000000e+00 : f32
    %broadcast_in_dim3A_1 = vector.broadcast %broadcast_in_dim3A : f32 to vector<16xf32>
    %mul3A_2 = arith.constant 2 : i32
    %mul3A_3 = arith.muli %add3A, %mul3A_2 : i32
    %dma_start3A = arith.constant 0 : i32
    %dma_start3A_4 = tpu.memref_slice %arg4[%mul3A_3, %dma_start3A] : memref<64x100000xf32, #tpu.memory_space<hbm>> -> memref<1x100000xf32, #tpu.memory_space<hbm>>
    %dma_start3A_5 = tpu.memref_squeeze %dma_start3A_4 : memref<1x100000xf32, #tpu.memory_space<hbm>> -> memref<100000xf32, #tpu.memory_space<hbm>>
    %dma_start3A_6 = arith.constant 0 : i32
    %dma_start3A_7 = tpu.memref_slice %arg4[%mul3A_3, %dma_start3A_6] : memref<64x100000xf32, #tpu.memory_space<hbm>> -> memref<1x100000xf32, #tpu.memory_space<hbm>>
    %dma_start3A_8 = tpu.memref_squeeze %dma_start3A_7 : memref<1x100000xf32, #tpu.memory_space<hbm>> -> memref<100000xf32, #tpu.memory_space<hbm>>
    tpu.enqueue_dma source(%dma_start3A_8 : memref<100000xf32, #tpu.memory_space<hbm>>) target(%arg7 : memref<100000xf32, #tpu.memory_space<vmem>>) target_semaphore(%arg13 : memref<!tpu.dma_semaphore, #tpu.memory_space<semaphore_mem>>)
    %dma_start3A_9 = arith.constant 0 : i32
    %dma_start3A_10 = tpu.memref_slice %arg2[%mul3A_3, %dma_start3A_9] : memref<64x16384xf32, #tpu.memory_space<hbm>> -> memref<1x4096xf32, #tpu.memory_space<hbm>>
    %dma_start3A_11 = tpu.memref_squeeze %dma_start3A_10 : memref<1x4096xf32, #tpu.memory_space<hbm>> -> memref<4096xf32, #tpu.memory_space<hbm>>
    %dma_start3A_12 = arith.constant 0 : i32
    %dma_start3A_13 = tpu.memref_slice %arg2[%mul3A_3, %dma_start3A_12] : memref<64x16384xf32, #tpu.memory_space<hbm>> -> memref<1x4096xf32, #tpu.memory_space<hbm>>
    %dma_start3A_14 = tpu.memref_squeeze %dma_start3A_13 : memref<1x4096xf32, #tpu.memory_space<hbm>> -> memref<4096xf32, #tpu.memory_space<hbm>>
    tpu.enqueue_dma source(%dma_start3A_14 : memref<4096xf32, #tpu.memory_space<hbm>>) target(%arg8 : memref<4096xf32, #tpu.memory_space<vmem>>) target_semaphore(%arg14 : memref<!tpu.dma_semaphore, #tpu.memory_space<semaphore_mem>>)
    %eq3A = arith.constant 0 : i32
    %eq3A_15 = arith.cmpi eq, %arg1, %eq3A : i32
    %convert_element_type3A = arith.extui %eq3A_15 : i1 to i32
    %cond3A = arith.constant 0 : i32
    %cond3A_16 = arith.cmpi ne, %convert_element_type3A, %cond3A : i32
    scf.if %cond3A_16 {
      "tpu.region"() ({
        %run_scoped3A = tpu.sem_alloc : memref<!tpu.dma_semaphore, #tpu.memory_space<semaphore_mem>>
        tpu.enqueue_dma source(%arg3 : memref<16384xi32, #tpu.memory_space<hbm>>) target(%arg11 : memref<16384xi32, #tpu.memory_space<vmem_shared>>) target_semaphore(%run_scoped3A : memref<!tpu.dma_semaphore, #tpu.memory_space<semaphore_mem>>)
        tpu.wait_dma2 semaphore(%run_scoped3A : memref<!tpu.dma_semaphore, #tpu.memory_space<semaphore_mem>>) src(%arg3 : memref<16384xi32, #tpu.memory_space<hbm>>) dst(%arg11 : memref<16384xi32, #tpu.memory_space<vmem_shared>>)
        tpu.yield
      }) : () -> ()
    } else {
    }
    %barrier3A = arith.constant 0 : index
    tpu.barrier barrier_id(%barrier3A)
    tpu.enqueue_dma source(%arg11 : memref<16384xi32, #tpu.memory_space<vmem_shared>>) target(%arg6 : memref<16384xi32, #tpu.memory_space<vmem>>) target_semaphore(%arg12 : memref<!tpu.dma_semaphore, #tpu.memory_space<semaphore_mem>>)
    tpu.wait_dma2 semaphore(%arg12 : memref<!tpu.dma_semaphore, #tpu.memory_space<semaphore_mem>>) src(%arg11 : memref<16384xi32, #tpu.memory_space<vmem_shared>>) dst(%arg6 : memref<16384xi32, #tpu.memory_space<vmem>>)
    %dma_wait3A = arith.constant 0 : i32
    %dma_wait3A_17 = tpu.memref_slice %arg4[%mul3A_3, %dma_wait3A] : memref<64x100000xf32, #tpu.memory_space<hbm>> -> memref<1x100000xf32, #tpu.memory_space<hbm>>
    %dma_wait3A_18 = tpu.memref_squeeze %dma_wait3A_17 : memref<1x100000xf32, #tpu.memory_space<hbm>> -> memref<100000xf32, #tpu.memory_space<hbm>>
    %dma_wait3A_19 = arith.constant 0 : i32
    %dma_wait3A_20 = tpu.memref_slice %arg4[%mul3A_3, %dma_wait3A_19] : memref<64x100000xf32, #tpu.memory_space<hbm>> -> memref<1x100000xf32, #tpu.memory_space<hbm>>
    %dma_wait3A_21 = tpu.memref_squeeze %dma_wait3A_20 : memref<1x100000xf32, #tpu.memory_space<hbm>> -> memref<100000xf32, #tpu.memory_space<hbm>>
    tpu.wait_dma2 semaphore(%arg13 : memref<!tpu.dma_semaphore, #tpu.memory_space<semaphore_mem>>) src(%dma_wait3A_21 : memref<100000xf32, #tpu.memory_space<hbm>>) dst(%arg7 : memref<100000xf32, #tpu.memory_space<vmem>>)
    %dma_start3A_22 = arith.constant 4096 : i32
    %dma_start3A_23 = tpu.memref_slice %arg2[%mul3A_3, %dma_start3A_22] : memref<64x16384xf32, #tpu.memory_space<hbm>> -> memref<1x4096xf32, #tpu.memory_space<hbm>>
    %dma_start3A_24 = tpu.memref_squeeze %dma_start3A_23 : memref<1x4096xf32, #tpu.memory_space<hbm>> -> memref<4096xf32, #tpu.memory_space<hbm>>
    %dma_start3A_25 = arith.constant 4096 : i32
    %dma_start3A_26 = tpu.memref_slice %arg2[%mul3A_3, %dma_start3A_25] : memref<64x16384xf32, #tpu.memory_space<hbm>> -> memref<1x4096xf32, #tpu.memory_space<hbm>>
    %dma_start3A_27 = tpu.memref_squeeze %dma_start3A_26 : memref<1x4096xf32, #tpu.memory_space<hbm>> -> memref<4096xf32, #tpu.memory_space<hbm>>
    tpu.enqueue_dma source(%dma_start3A_27 : memref<4096xf32, #tpu.memory_space<hbm>>) target(%arg9 : memref<4096xf32, #tpu.memory_space<vmem>>) target_semaphore(%arg15 : memref<!tpu.dma_semaphore, #tpu.memory_space<semaphore_mem>>)
    %dma_wait3A_28 = arith.constant 0 : i32
    %dma_wait3A_29 = tpu.memref_slice %arg2[%mul3A_3, %dma_wait3A_28] : memref<64x16384xf32, #tpu.memory_space<hbm>> -> memref<1x4096xf32, #tpu.memory_space<hbm>>
    %dma_wait3A_30 = tpu.memref_squeeze %dma_wait3A_29 : memref<1x4096xf32, #tpu.memory_space<hbm>> -> memref<4096xf32, #tpu.memory_space<hbm>>
    %dma_wait3A_31 = arith.constant 0 : i32
    %dma_wait3A_32 = tpu.memref_slice %arg2[%mul3A_3, %dma_wait3A_31] : memref<64x16384xf32, #tpu.memory_space<hbm>> -> memref<1x4096xf32, #tpu.memory_space<hbm>>
    %dma_wait3A_33 = tpu.memref_squeeze %dma_wait3A_32 : memref<1x4096xf32, #tpu.memory_space<hbm>> -> memref<4096xf32, #tpu.memory_space<hbm>>
    tpu.wait_dma2 semaphore(%arg14 : memref<!tpu.dma_semaphore, #tpu.memory_space<semaphore_mem>>) src(%dma_wait3A_33 : memref<4096xf32, #tpu.memory_space<hbm>>) dst(%arg8 : memref<4096xf32, #tpu.memory_space<vmem>>)
    %scan3A = arith.constant 0 : i32
    %scan3A_34 = arith.constant 64 : i32
    %scan3A_35 = arith.addi %scan3A, %scan3A_34 : i32
    %scan3A_36 = arith.constant 1 : i32
    %scan3A_37 = scf.for %scan3A_192 = %scan3A to %scan3A_35 step %scan3A_36 iter_args(%scan3A_193 = %broadcast_in_dim3A_1) -> (vector<16xf32>)  : i32 {
      %mul3A_194 = arith.constant 64 : i32
      %mul3A_195 = arith.muli %scan3A_192, %mul3A_194 : i32
      %add3A_196 = arith.constant 0 : i32
      %add3A_197 = arith.addi %mul3A_195, %add3A_196 : i32
      %add3A_198 = arith.constant 0 : i32
      %add3A_199 = arith.addi %add3A_198, %add3A_197 : i32
      %get3A = arith.index_cast %add3A_199 : i32 to index
      %get3A_200 = tpu.vector_load %arg6[%get3A] {strides = array<i32>} : memref<16384xi32, #tpu.memory_space<vmem>>, vector<16xi32>,
      %gather3A = tpu.vector_load_idx %arg7[%get3A_200] : memref<100000xf32, #tpu.memory_space<vmem>>[vector<16xi32>], vector<16xf32>,
      %get3A_201 = arith.index_cast %add3A_197 : i32 to index
      %get3A_202 = tpu.vector_load %arg8[%get3A_201] {strides = array<i32>} : memref<4096xf32, #tpu.memory_space<vmem>>, vector<16xf32>,
      %sub3A = arith.subf %get3A_202, %gather3A : vector<16xf32>
      %mul3A_203 = arith.mulf %sub3A, %sub3A : vector<16xf32>
      %add3A_204 = arith.addf %scan3A_193, %mul3A_203 : vector<16xf32>
      %mul3A_205 = arith.constant 64 : i32
      %mul3A_206 = arith.muli %scan3A_192, %mul3A_205 : i32
      %add3A_207 = arith.constant 16 : i32
      %add3A_208 = arith.addi %mul3A_206, %add3A_207 : i32
      %add3A_209 = arith.constant 0 : i32
      %add3A_210 = arith.addi %add3A_209, %add3A_208 : i32
      %get3A_211 = arith.index_cast %add3A_210 : i32 to index
      %get3A_212 = tpu.vector_load %arg6[%get3A_211] {strides = array<i32>} : memref<16384xi32, #tpu.memory_space<vmem>>, vector<16xi32>,
      %gather3A_213 = tpu.vector_load_idx %arg7[%get3A_212] : memref<100000xf32, #tpu.memory_space<vmem>>[vector<16xi32>], vector<16xf32>,
      %get3A_214 = arith.index_cast %add3A_208 : i32 to index
      %get3A_215 = tpu.vector_load %arg8[%get3A_214] {strides = array<i32>} : memref<4096xf32, #tpu.memory_space<vmem>>, vector<16xf32>,
      %sub3A_216 = arith.subf %get3A_215, %gather3A_213 : vector<16xf32>
      %mul3A_217 = arith.mulf %sub3A_216, %sub3A_216 : vector<16xf32>
      %add3A_218 = arith.addf %add3A_204, %mul3A_217 : vector<16xf32>
      %mul3A_219 = arith.constant 64 : i32
      %mul3A_220 = arith.muli %scan3A_192, %mul3A_219 : i32
      %add3A_221 = arith.constant 32 : i32
      %add3A_222 = arith.addi %mul3A_220, %add3A_221 : i32
      %add3A_223 = arith.constant 0 : i32
      %add3A_224 = arith.addi %add3A_223, %add3A_222 : i32
      %get3A_225 = arith.index_cast %add3A_224 : i32 to index
      %get3A_226 = tpu.vector_load %arg6[%get3A_225] {strides = array<i32>} : memref<16384xi32, #tpu.memory_space<vmem>>, vector<16xi32>,
      %gather3A_227 = tpu.vector_load_idx %arg7[%get3A_226] : memref<100000xf32, #tpu.memory_space<vmem>>[vector<16xi32>], vector<16xf32>,
      %get3A_228 = arith.index_cast %add3A_222 : i32 to index
      %get3A_229 = tpu.vector_load %arg8[%get3A_228] {strides = array<i32>} : memref<4096xf32, #tpu.memory_space<vmem>>, vector<16xf32>,
      %sub3A_230 = arith.subf %get3A_229, %gather3A_227 : vector<16xf32>
      %mul3A_231 = arith.mulf %sub3A_230, %sub3A_230 : vector<16xf32>
      %add3A_232 = arith.addf %add3A_218, %mul3A_231 : vector<16xf32>
      %mul3A_233 = arith.constant 64 : i32
      %mul3A_234 = arith.muli %scan3A_192, %mul3A_233 : i32
      %add3A_235 = arith.constant 48 : i32
      %add3A_236 = arith.addi %mul3A_234, %add3A_235 : i32
      %add3A_237 = arith.constant 0 : i32
      %add3A_238 = arith.addi %add3A_237, %add3A_236 : i32
      %get3A_239 = arith.index_cast %add3A_238 : i32 to index
      %get3A_240 = tpu.vector_load %arg6[%get3A_239] {strides = array<i32>} : memref<16384xi32, #tpu.memory_space<vmem>>, vector<16xi32>,
      %gather3A_241 = tpu.vector_load_idx %arg7[%get3A_240] : memref<100000xf32, #tpu.memory_space<vmem>>[vector<16xi32>], vector<16xf32>,
      %get3A_242 = arith.index_cast %add3A_236 : i32 to index
      %get3A_243 = tpu.vector_load %arg8[%get3A_242] {strides = array<i32>} : memref<4096xf32, #tpu.memory_space<vmem>>, vector<16xf32>,
      %sub3A_244 = arith.subf %get3A_243, %gather3A_241 : vector<16xf32>
      %mul3A_245 = arith.mulf %sub3A_244, %sub3A_244 : vector<16xf32>
      %add3A_246 = arith.addf %add3A_232, %mul3A_245 : vector<16xf32>
      scf.yield %add3A_246 : vector<16xf32>
    }
    %scan3A_38 = arith.constant 64 : i32
    %dma_start3A_39 = arith.constant 8192 : i32
    %dma_start3A_40 = tpu.memref_slice %arg2[%mul3A_3, %dma_start3A_39] : memref<64x16384xf32, #tpu.memory_space<hbm>> -> memref<1x4096xf32, #tpu.memory_space<hbm>>
    %dma_start3A_41 = tpu.memref_squeeze %dma_start3A_40 : memref<1x4096xf32, #tpu.memory_space<hbm>> -> memref<4096xf32, #tpu.memory_space<hbm>>
    %dma_start3A_42 = arith.constant 8192 : i32
    %dma_start3A_43 = tpu.memref_slice %arg2[%mul3A_3, %dma_start3A_42] : memref<64x16384xf32, #tpu.memory_space<hbm>> -> memref<1x4096xf32, #tpu.memory_space<hbm>>
    %dma_start3A_44 = tpu.memref_squeeze %dma_start3A_43 : memref<1x4096xf32, #tpu.memory_space<hbm>> -> memref<4096xf32, #tpu.memory_space<hbm>>
    tpu.enqueue_dma source(%dma_start3A_44 : memref<4096xf32, #tpu.memory_space<hbm>>) target(%arg8 : memref<4096xf32, #tpu.memory_space<vmem>>) target_semaphore(%arg14 : memref<!tpu.dma_semaphore, #tpu.memory_space<semaphore_mem>>)
    %dma_wait3A_45 = arith.constant 4096 : i32
    %dma_wait3A_46 = tpu.memref_slice %arg2[%mul3A_3, %dma_wait3A_45] : memref<64x16384xf32, #tpu.memory_space<hbm>> -> memref<1x4096xf32, #tpu.memory_space<hbm>>
    %dma_wait3A_47 = tpu.memref_squeeze %dma_wait3A_46 : memref<1x4096xf32, #tpu.memory_space<hbm>> -> memref<4096xf32, #tpu.memory_space<hbm>>
    %dma_wait3A_48 = arith.constant 4096 : i32
    %dma_wait3A_49 = tpu.memref_slice %arg2[%mul3A_3, %dma_wait3A_48] : memref<64x16384xf32, #tpu.memory_space<hbm>> -> memref<1x4096xf32, #tpu.memory_space<hbm>>
    %dma_wait3A_50 = tpu.memref_squeeze %dma_wait3A_49 : memref<1x4096xf32, #tpu.memory_space<hbm>> -> memref<4096xf32, #tpu.memory_space<hbm>>
    tpu.wait_dma2 semaphore(%arg15 : memref<!tpu.dma_semaphore, #tpu.memory_space<semaphore_mem>>) src(%dma_wait3A_50 : memref<4096xf32, #tpu.memory_space<hbm>>) dst(%arg9 : memref<4096xf32, #tpu.memory_space<vmem>>)
    %scan3A_51 = arith.constant 0 : i32
    %scan3A_52 = arith.constant 64 : i32
    %scan3A_53 = arith.addi %scan3A_51, %scan3A_52 : i32
    %scan3A_54 = arith.constant 1 : i32
    %scan3A_55 = scf.for %scan3A_192 = %scan3A_51 to %scan3A_53 step %scan3A_54 iter_args(%scan3A_193 = %scan3A_37) -> (vector<16xf32>)  : i32 {
      %mul3A_194 = arith.constant 64 : i32
      %mul3A_195 = arith.muli %scan3A_192, %mul3A_194 : i32
      %add3A_196 = arith.constant 0 : i32
      %add3A_197 = arith.addi %mul3A_195, %add3A_196 : i32
      %add3A_198 = arith.constant 4096 : i32
      %add3A_199 = arith.addi %add3A_198, %add3A_197 : i32
      %get3A = arith.index_cast %add3A_199 : i32 to index
      %get3A_200 = tpu.vector_load %arg6[%get3A] {strides = array<i32>} : memref<16384xi32, #tpu.memory_space<vmem>>, vector<16xi32>,
      %gather3A = tpu.vector_load_idx %arg7[%get3A_200] : memref<100000xf32, #tpu.memory_space<vmem>>[vector<16xi32>], vector<16xf32>,
      %get3A_201 = arith.index_cast %add3A_197 : i32 to index
      %get3A_202 = tpu.vector_load %arg9[%get3A_201] {strides = array<i32>} : memref<4096xf32, #tpu.memory_space<vmem>>, vector<16xf32>,
      %sub3A = arith.subf %get3A_202, %gather3A : vector<16xf32>
      %mul3A_203 = arith.mulf %sub3A, %sub3A : vector<16xf32>
      %add3A_204 = arith.addf %scan3A_193, %mul3A_203 : vector<16xf32>
      %mul3A_205 = arith.constant 64 : i32
      %mul3A_206 = arith.muli %scan3A_192, %mul3A_205 : i32
      %add3A_207 = arith.constant 16 : i32
      %add3A_208 = arith.addi %mul3A_206, %add3A_207 : i32
      %add3A_209 = arith.constant 4096 : i32
      %add3A_210 = arith.addi %add3A_209, %add3A_208 : i32
      %get3A_211 = arith.index_cast %add3A_210 : i32 to index
      %get3A_212 = tpu.vector_load %arg6[%get3A_211] {strides = array<i32>} : memref<16384xi32, #tpu.memory_space<vmem>>, vector<16xi32>,
      %gather3A_213 = tpu.vector_load_idx %arg7[%get3A_212] : memref<100000xf32, #tpu.memory_space<vmem>>[vector<16xi32>], vector<16xf32>,
      %get3A_214 = arith.index_cast %add3A_208 : i32 to index
      %get3A_215 = tpu.vector_load %arg9[%get3A_214] {strides = array<i32>} : memref<4096xf32, #tpu.memory_space<vmem>>, vector<16xf32>,
      %sub3A_216 = arith.subf %get3A_215, %gather3A_213 : vector<16xf32>
      %mul3A_217 = arith.mulf %sub3A_216, %sub3A_216 : vector<16xf32>
      %add3A_218 = arith.addf %add3A_204, %mul3A_217 : vector<16xf32>
      %mul3A_219 = arith.constant 64 : i32
      %mul3A_220 = arith.muli %scan3A_192, %mul3A_219 : i32
      %add3A_221 = arith.constant 32 : i32
      %add3A_222 = arith.addi %mul3A_220, %add3A_221 : i32
      %add3A_223 = arith.constant 4096 : i32
      %add3A_224 = arith.addi %add3A_223, %add3A_222 : i32
      %get3A_225 = arith.index_cast %add3A_224 : i32 to index
      %get3A_226 = tpu.vector_load %arg6[%get3A_225] {strides = array<i32>} : memref<16384xi32, #tpu.memory_space<vmem>>, vector<16xi32>,
      %gather3A_227 = tpu.vector_load_idx %arg7[%get3A_226] : memref<100000xf32, #tpu.memory_space<vmem>>[vector<16xi32>], vector<16xf32>,
      %get3A_228 = arith.index_cast %add3A_222 : i32 to index
      %get3A_229 = tpu.vector_load %arg9[%get3A_228] {strides = array<i32>} : memref<4096xf32, #tpu.memory_space<vmem>>, vector<16xf32>,
      %sub3A_230 = arith.subf %get3A_229, %gather3A_227 : vector<16xf32>
      %mul3A_231 = arith.mulf %sub3A_230, %sub3A_230 : vector<16xf32>
      %add3A_232 = arith.addf %add3A_218, %mul3A_231 : vector<16xf32>
      %mul3A_233 = arith.constant 64 : i32
      %mul3A_234 = arith.muli %scan3A_192, %mul3A_233 : i32
      %add3A_235 = arith.constant 48 : i32
      %add3A_236 = arith.addi %mul3A_234, %add3A_235 : i32
      %add3A_237 = arith.constant 4096 : i32
      %add3A_238 = arith.addi %add3A_237, %add3A_236 : i32
      %get3A_239 = arith.index_cast %add3A_238 : i32 to index
      %get3A_240 = tpu.vector_load %arg6[%get3A_239] {strides = array<i32>} : memref<16384xi32, #tpu.memory_space<vmem>>, vector<16xi32>,
      %gather3A_241 = tpu.vector_load_idx %arg7[%get3A_240] : memref<100000xf32, #tpu.memory_space<vmem>>[vector<16xi32>], vector<16xf32>,
      %get3A_242 = arith.index_cast %add3A_236 : i32 to index
      %get3A_243 = tpu.vector_load %arg9[%get3A_242] {strides = array<i32>} : memref<4096xf32, #tpu.memory_space<vmem>>, vector<16xf32>,
      %sub3A_244 = arith.subf %get3A_243, %gather3A_241 : vector<16xf32>
      %mul3A_245 = arith.mulf %sub3A_244, %sub3A_244 : vector<16xf32>
      %add3A_246 = arith.addf %add3A_232, %mul3A_245 : vector<16xf32>
      scf.yield %add3A_246 : vector<16xf32>
    }
    %scan3A_56 = arith.constant 64 : i32
    %dma_start3A_57 = arith.constant 12288 : i32
    %dma_start3A_58 = tpu.memref_slice %arg2[%mul3A_3, %dma_start3A_57] : memref<64x16384xf32, #tpu.memory_space<hbm>> -> memref<1x4096xf32, #tpu.memory_space<hbm>>
    %dma_start3A_59 = tpu.memref_squeeze %dma_start3A_58 : memref<1x4096xf32, #tpu.memory_space<hbm>> -> memref<4096xf32, #tpu.memory_space<hbm>>
    %dma_start3A_60 = arith.constant 12288 : i32
    %dma_start3A_61 = tpu.memref_slice %arg2[%mul3A_3, %dma_start3A_60] : memref<64x16384xf32, #tpu.memory_space<hbm>> -> memref<1x4096xf32, #tpu.memory_space<hbm>>
    %dma_start3A_62 = tpu.memref_squeeze %dma_start3A_61 : memref<1x4096xf32, #tpu.memory_space<hbm>> -> memref<4096xf32, #tpu.memory_space<hbm>>
    tpu.enqueue_dma source(%dma_start3A_62 : memref<4096xf32, #tpu.memory_space<hbm>>) target(%arg9 : memref<4096xf32, #tpu.memory_space<vmem>>) target_semaphore(%arg15 : memref<!tpu.dma_semaphore, #tpu.memory_space<semaphore_mem>>)
    %dma_wait3A_63 = arith.constant 8192 : i32
    %dma_wait3A_64 = tpu.memref_slice %arg2[%mul3A_3, %dma_wait3A_63] : memref<64x16384xf32, #tpu.memory_space<hbm>> -> memref<1x4096xf32, #tpu.memory_space<hbm>>
    %dma_wait3A_65 = tpu.memref_squeeze %dma_wait3A_64 : memref<1x4096xf32, #tpu.memory_space<hbm>> -> memref<4096xf32, #tpu.memory_space<hbm>>
    %dma_wait3A_66 = arith.constant 8192 : i32
    %dma_wait3A_67 = tpu.memref_slice %arg2[%mul3A_3, %dma_wait3A_66] : memref<64x16384xf32, #tpu.memory_space<hbm>> -> memref<1x4096xf32, #tpu.memory_space<hbm>>
    %dma_wait3A_68 = tpu.memref_squeeze %dma_wait3A_67 : memref<1x4096xf32, #tpu.memory_space<hbm>> -> memref<4096xf32, #tpu.memory_space<hbm>>
    tpu.wait_dma2 semaphore(%arg14 : memref<!tpu.dma_semaphore, #tpu.memory_space<semaphore_mem>>) src(%dma_wait3A_68 : memref<4096xf32, #tpu.memory_space<hbm>>) dst(%arg8 : memref<4096xf32, #tpu.memory_space<vmem>>)
    %scan3A_69 = arith.constant 0 : i32
    %scan3A_70 = arith.constant 64 : i32
    %scan3A_71 = arith.addi %scan3A_69, %scan3A_70 : i32
    %scan3A_72 = arith.constant 1 : i32
    %scan3A_73 = scf.for %scan3A_192 = %scan3A_69 to %scan3A_71 step %scan3A_72 iter_args(%scan3A_193 = %scan3A_55) -> (vector<16xf32>)  : i32 {
      %mul3A_194 = arith.constant 64 : i32
      %mul3A_195 = arith.muli %scan3A_192, %mul3A_194 : i32
      %add3A_196 = arith.constant 0 : i32
      %add3A_197 = arith.addi %mul3A_195, %add3A_196 : i32
      %add3A_198 = arith.constant 8192 : i32
      %add3A_199 = arith.addi %add3A_198, %add3A_197 : i32
      %get3A = arith.index_cast %add3A_199 : i32 to index
      %get3A_200 = tpu.vector_load %arg6[%get3A] {strides = array<i32>} : memref<16384xi32, #tpu.memory_space<vmem>>, vector<16xi32>,
      %gather3A = tpu.vector_load_idx %arg7[%get3A_200] : memref<100000xf32, #tpu.memory_space<vmem>>[vector<16xi32>], vector<16xf32>,
      %get3A_201 = arith.index_cast %add3A_197 : i32 to index
      %get3A_202 = tpu.vector_load %arg8[%get3A_201] {strides = array<i32>} : memref<4096xf32, #tpu.memory_space<vmem>>, vector<16xf32>,
      %sub3A = arith.subf %get3A_202, %gather3A : vector<16xf32>
      %mul3A_203 = arith.mulf %sub3A, %sub3A : vector<16xf32>
      %add3A_204 = arith.addf %scan3A_193, %mul3A_203 : vector<16xf32>
      %mul3A_205 = arith.constant 64 : i32
      %mul3A_206 = arith.muli %scan3A_192, %mul3A_205 : i32
      %add3A_207 = arith.constant 16 : i32
      %add3A_208 = arith.addi %mul3A_206, %add3A_207 : i32
      %add3A_209 = arith.constant 8192 : i32
      %add3A_210 = arith.addi %add3A_209, %add3A_208 : i32
      %get3A_211 = arith.index_cast %add3A_210 : i32 to index
      %get3A_212 = tpu.vector_load %arg6[%get3A_211] {strides = array<i32>} : memref<16384xi32, #tpu.memory_space<vmem>>, vector<16xi32>,
      %gather3A_213 = tpu.vector_load_idx %arg7[%get3A_212] : memref<100000xf32, #tpu.memory_space<vmem>>[vector<16xi32>], vector<16xf32>,
      %get3A_214 = arith.index_cast %add3A_208 : i32 to index
      %get3A_215 = tpu.vector_load %arg8[%get3A_214] {strides = array<i32>} : memref<4096xf32, #tpu.memory_space<vmem>>, vector<16xf32>,
      %sub3A_216 = arith.subf %get3A_215, %gather3A_213 : vector<16xf32>
      %mul3A_217 = arith.mulf %sub3A_216, %sub3A_216 : vector<16xf32>
      %add3A_218 = arith.addf %add3A_204, %mul3A_217 : vector<16xf32>
      %mul3A_219 = arith.constant 64 : i32
      %mul3A_220 = arith.muli %scan3A_192, %mul3A_219 : i32
      %add3A_221 = arith.constant 32 : i32
      %add3A_222 = arith.addi %mul3A_220, %add3A_221 : i32
      %add3A_223 = arith.constant 8192 : i32
      %add3A_224 = arith.addi %add3A_223, %add3A_222 : i32
      %get3A_225 = arith.index_cast %add3A_224 : i32 to index
      %get3A_226 = tpu.vector_load %arg6[%get3A_225] {strides = array<i32>} : memref<16384xi32, #tpu.memory_space<vmem>>, vector<16xi32>,
      %gather3A_227 = tpu.vector_load_idx %arg7[%get3A_226] : memref<100000xf32, #tpu.memory_space<vmem>>[vector<16xi32>], vector<16xf32>,
      %get3A_228 = arith.index_cast %add3A_222 : i32 to index
      %get3A_229 = tpu.vector_load %arg8[%get3A_228] {strides = array<i32>} : memref<4096xf32, #tpu.memory_space<vmem>>, vector<16xf32>,
      %sub3A_230 = arith.subf %get3A_229, %gather3A_227 : vector<16xf32>
      %mul3A_231 = arith.mulf %sub3A_230, %sub3A_230 : vector<16xf32>
      %add3A_232 = arith.addf %add3A_218, %mul3A_231 : vector<16xf32>
      %mul3A_233 = arith.constant 64 : i32
      %mul3A_234 = arith.muli %scan3A_192, %mul3A_233 : i32
      %add3A_235 = arith.constant 48 : i32
      %add3A_236 = arith.addi %mul3A_234, %add3A_235 : i32
      %add3A_237 = arith.constant 8192 : i32
      %add3A_238 = arith.addi %add3A_237, %add3A_236 : i32
      %get3A_239 = arith.index_cast %add3A_238 : i32 to index
      %get3A_240 = tpu.vector_load %arg6[%get3A_239] {strides = array<i32>} : memref<16384xi32, #tpu.memory_space<vmem>>, vector<16xi32>,
      %gather3A_241 = tpu.vector_load_idx %arg7[%get3A_240] : memref<100000xf32, #tpu.memory_space<vmem>>[vector<16xi32>], vector<16xf32>,
      %get3A_242 = arith.index_cast %add3A_236 : i32 to index
      %get3A_243 = tpu.vector_load %arg8[%get3A_242] {strides = array<i32>} : memref<4096xf32, #tpu.memory_space<vmem>>, vector<16xf32>,
      %sub3A_244 = arith.subf %get3A_243, %gather3A_241 : vector<16xf32>
      %mul3A_245 = arith.mulf %sub3A_244, %sub3A_244 : vector<16xf32>
      %add3A_246 = arith.addf %add3A_232, %mul3A_245 : vector<16xf32>
      scf.yield %add3A_246 : vector<16xf32>
    }
    %scan3A_74 = arith.constant 64 : i32
    %dma_wait3A_75 = arith.constant 12288 : i32
    %dma_wait3A_76 = tpu.memref_slice %arg2[%mul3A_3, %dma_wait3A_75] : memref<64x16384xf32, #tpu.memory_space<hbm>> -> memref<1x4096xf32, #tpu.memory_space<hbm>>
    %dma_wait3A_77 = tpu.memref_squeeze %dma_wait3A_76 : memref<1x4096xf32, #tpu.memory_space<hbm>> -> memref<4096xf32, #tpu.memory_space<hbm>>
    %dma_wait3A_78 = arith.constant 12288 : i32
    %dma_wait3A_79 = tpu.memref_slice %arg2[%mul3A_3, %dma_wait3A_78] : memref<64x16384xf32, #tpu.memory_space<hbm>> -> memref<1x4096xf32, #tpu.memory_space<hbm>>
    %dma_wait3A_80 = tpu.memref_squeeze %dma_wait3A_79 : memref<1x4096xf32, #tpu.memory_space<hbm>> -> memref<4096xf32, #tpu.memory_space<hbm>>
    tpu.wait_dma2 semaphore(%arg15 : memref<!tpu.dma_semaphore, #tpu.memory_space<semaphore_mem>>) src(%dma_wait3A_80 : memref<4096xf32, #tpu.memory_space<hbm>>) dst(%arg9 : memref<4096xf32, #tpu.memory_space<vmem>>)
    %scan3A_81 = arith.constant 0 : i32
    %scan3A_82 = arith.constant 64 : i32
    %scan3A_83 = arith.addi %scan3A_81, %scan3A_82 : i32
    %scan3A_84 = arith.constant 1 : i32
    %scan3A_85 = scf.for %scan3A_192 = %scan3A_81 to %scan3A_83 step %scan3A_84 iter_args(%scan3A_193 = %scan3A_73) -> (vector<16xf32>)  : i32 {
      %mul3A_194 = arith.constant 64 : i32
      %mul3A_195 = arith.muli %scan3A_192, %mul3A_194 : i32
      %add3A_196 = arith.constant 0 : i32
      %add3A_197 = arith.addi %mul3A_195, %add3A_196 : i32
      %add3A_198 = arith.constant 12288 : i32
      %add3A_199 = arith.addi %add3A_198, %add3A_197 : i32
      %get3A = arith.index_cast %add3A_199 : i32 to index
      %get3A_200 = tpu.vector_load %arg6[%get3A] {strides = array<i32>} : memref<16384xi32, #tpu.memory_space<vmem>>, vector<16xi32>,
      %gather3A = tpu.vector_load_idx %arg7[%get3A_200] : memref<100000xf32, #tpu.memory_space<vmem>>[vector<16xi32>], vector<16xf32>,
      %get3A_201 = arith.index_cast %add3A_197 : i32 to index
      %get3A_202 = tpu.vector_load %arg9[%get3A_201] {strides = array<i32>} : memref<4096xf32, #tpu.memory_space<vmem>>, vector<16xf32>,
      %sub3A = arith.subf %get3A_202, %gather3A : vector<16xf32>
      %mul3A_203 = arith.mulf %sub3A, %sub3A : vector<16xf32>
      %add3A_204 = arith.addf %scan3A_193, %mul3A_203 : vector<16xf32>
      %mul3A_205 = arith.constant 64 : i32
      %mul3A_206 = arith.muli %scan3A_192, %mul3A_205 : i32
      %add3A_207 = arith.constant 16 : i32
      %add3A_208 = arith.addi %mul3A_206, %add3A_207 : i32
      %add3A_209 = arith.constant 12288 : i32
      %add3A_210 = arith.addi %add3A_209, %add3A_208 : i32
      %get3A_211 = arith.index_cast %add3A_210 : i32 to index
      %get3A_212 = tpu.vector_load %arg6[%get3A_211] {strides = array<i32>} : memref<16384xi32, #tpu.memory_space<vmem>>, vector<16xi32>,
      %gather3A_213 = tpu.vector_load_idx %arg7[%get3A_212] : memref<100000xf32, #tpu.memory_space<vmem>>[vector<16xi32>], vector<16xf32>,
      %get3A_214 = arith.index_cast %add3A_208 : i32 to index
      %get3A_215 = tpu.vector_load %arg9[%get3A_214] {strides = array<i32>} : memref<4096xf32, #tpu.memory_space<vmem>>, vector<16xf32>,
      %sub3A_216 = arith.subf %get3A_215, %gather3A_213 : vector<16xf32>
      %mul3A_217 = arith.mulf %sub3A_216, %sub3A_216 : vector<16xf32>
      %add3A_218 = arith.addf %add3A_204, %mul3A_217 : vector<16xf32>
      %mul3A_219 = arith.constant 64 : i32
      %mul3A_220 = arith.muli %scan3A_192, %mul3A_219 : i32
      %add3A_221 = arith.constant 32 : i32
      %add3A_222 = arith.addi %mul3A_220, %add3A_221 : i32
      %add3A_223 = arith.constant 12288 : i32
      %add3A_224 = arith.addi %add3A_223, %add3A_222 : i32
      %get3A_225 = arith.index_cast %add3A_224 : i32 to index
      %get3A_226 = tpu.vector_load %arg6[%get3A_225] {strides = array<i32>} : memref<16384xi32, #tpu.memory_space<vmem>>, vector<16xi32>,
      %gather3A_227 = tpu.vector_load_idx %arg7[%get3A_226] : memref<100000xf32, #tpu.memory_space<vmem>>[vector<16xi32>], vector<16xf32>,
      %get3A_228 = arith.index_cast %add3A_222 : i32 to index
      %get3A_229 = tpu.vector_load %arg9[%get3A_228] {strides = array<i32>} : memref<4096xf32, #tpu.memory_space<vmem>>, vector<16xf32>,
      %sub3A_230 = arith.subf %get3A_229, %gather3A_227 : vector<16xf32>
      %mul3A_231 = arith.mulf %sub3A_230, %sub3A_230 : vector<16xf32>
      %add3A_232 = arith.addf %add3A_218, %mul3A_231 : vector<16xf32>
      %mul3A_233 = arith.constant 64 : i32
      %mul3A_234 = arith.muli %scan3A_192, %mul3A_233 : i32
      %add3A_235 = arith.constant 48 : i32
      %add3A_236 = arith.addi %mul3A_234, %add3A_235 : i32
      %add3A_237 = arith.constant 12288 : i32
      %add3A_238 = arith.addi %add3A_237, %add3A_236 : i32
      %get3A_239 = arith.index_cast %add3A_238 : i32 to index
      %get3A_240 = tpu.vector_load %arg6[%get3A_239] {strides = array<i32>} : memref<16384xi32, #tpu.memory_space<vmem>>, vector<16xi32>,
      %gather3A_241 = tpu.vector_load_idx %arg7[%get3A_240] : memref<100000xf32, #tpu.memory_space<vmem>>[vector<16xi32>], vector<16xf32>,
      %get3A_242 = arith.index_cast %add3A_236 : i32 to index
      %get3A_243 = tpu.vector_load %arg9[%get3A_242] {strides = array<i32>} : memref<4096xf32, #tpu.memory_space<vmem>>, vector<16xf32>,
      %sub3A_244 = arith.subf %get3A_243, %gather3A_241 : vector<16xf32>
      %mul3A_245 = arith.mulf %sub3A_244, %sub3A_244 : vector<16xf32>
      %add3A_246 = arith.addf %add3A_232, %mul3A_245 : vector<16xf32>
      scf.yield %add3A_246 : vector<16xf32>
    }
    %scan3A_86 = arith.constant 64 : i32
    %add3A_87 = arith.constant 1 : i32
    %add3A_88 = arith.addi %mul3A_3, %add3A_87 : i32
    %dma_start3A_89 = arith.constant 0 : i32
    %dma_start3A_90 = tpu.memref_slice %arg4[%add3A_88, %dma_start3A_89] : memref<64x100000xf32, #tpu.memory_space<hbm>> -> memref<1x100000xf32, #tpu.memory_space<hbm>>
    %dma_start3A_91 = tpu.memref_squeeze %dma_start3A_90 : memref<1x100000xf32, #tpu.memory_space<hbm>> -> memref<100000xf32, #tpu.memory_space<hbm>>
    %dma_start3A_92 = arith.constant 0 : i32
    %dma_start3A_93 = tpu.memref_slice %arg4[%add3A_88, %dma_start3A_92] : memref<64x100000xf32, #tpu.memory_space<hbm>> -> memref<1x100000xf32, #tpu.memory_space<hbm>>
    %dma_start3A_94 = tpu.memref_squeeze %dma_start3A_93 : memref<1x100000xf32, #tpu.memory_space<hbm>> -> memref<100000xf32, #tpu.memory_space<hbm>>
    tpu.enqueue_dma source(%dma_start3A_94 : memref<100000xf32, #tpu.memory_space<hbm>>) target(%arg7 : memref<100000xf32, #tpu.memory_space<vmem>>) target_semaphore(%arg13 : memref<!tpu.dma_semaphore, #tpu.memory_space<semaphore_mem>>)
    %dma_start3A_95 = arith.constant 0 : i32
    %dma_start3A_96 = tpu.memref_slice %arg2[%add3A_88, %dma_start3A_95] : memref<64x16384xf32, #tpu.memory_space<hbm>> -> memref<1x4096xf32, #tpu.memory_space<hbm>>
    %dma_start3A_97 = tpu.memref_squeeze %dma_start3A_96 : memref<1x4096xf32, #tpu.memory_space<hbm>> -> memref<4096xf32, #tpu.memory_space<hbm>>
    %dma_start3A_98 = arith.constant 0 : i32
    %dma_start3A_99 = tpu.memref_slice %arg2[%add3A_88, %dma_start3A_98] : memref<64x16384xf32, #tpu.memory_space<hbm>> -> memref<1x4096xf32, #tpu.memory_space<hbm>>
    %dma_start3A_100 = tpu.memref_squeeze %dma_start3A_99 : memref<1x4096xf32, #tpu.memory_space<hbm>> -> memref<4096xf32, #tpu.memory_space<hbm>>
    tpu.enqueue_dma source(%dma_start3A_100 : memref<4096xf32, #tpu.memory_space<hbm>>) target(%arg8 : memref<4096xf32, #tpu.memory_space<vmem>>) target_semaphore(%arg14 : memref<!tpu.dma_semaphore, #tpu.memory_space<semaphore_mem>>)
    %dma_wait3A_101 = arith.constant 0 : i32
    %dma_wait3A_102 = tpu.memref_slice %arg4[%add3A_88, %dma_wait3A_101] : memref<64x100000xf32, #tpu.memory_space<hbm>> -> memref<1x100000xf32, #tpu.memory_space<hbm>>
    %dma_wait3A_103 = tpu.memref_squeeze %dma_wait3A_102 : memref<1x100000xf32, #tpu.memory_space<hbm>> -> memref<100000xf32, #tpu.memory_space<hbm>>
    %dma_wait3A_104 = arith.constant 0 : i32
    %dma_wait3A_105 = tpu.memref_slice %arg4[%add3A_88, %dma_wait3A_104] : memref<64x100000xf32, #tpu.memory_space<hbm>> -> memref<1x100000xf32, #tpu.memory_space<hbm>>
    %dma_wait3A_106 = tpu.memref_squeeze %dma_wait3A_105 : memref<1x100000xf32, #tpu.memory_space<hbm>> -> memref<100000xf32, #tpu.memory_space<hbm>>
    tpu.wait_dma2 semaphore(%arg13 : memref<!tpu.dma_semaphore, #tpu.memory_space<semaphore_mem>>) src(%dma_wait3A_106 : memref<100000xf32, #tpu.memory_space<hbm>>) dst(%arg7 : memref<100000xf32, #tpu.memory_space<vmem>>)
    %dma_start3A_107 = arith.constant 4096 : i32
    %dma_start3A_108 = tpu.memref_slice %arg2[%add3A_88, %dma_start3A_107] : memref<64x16384xf32, #tpu.memory_space<hbm>> -> memref<1x4096xf32, #tpu.memory_space<hbm>>
    %dma_start3A_109 = tpu.memref_squeeze %dma_start3A_108 : memref<1x4096xf32, #tpu.memory_space<hbm>> -> memref<4096xf32, #tpu.memory_space<hbm>>
    %dma_start3A_110 = arith.constant 4096 : i32
    %dma_start3A_111 = tpu.memref_slice %arg2[%add3A_88, %dma_start3A_110] : memref<64x16384xf32, #tpu.memory_space<hbm>> -> memref<1x4096xf32, #tpu.memory_space<hbm>>
    %dma_start3A_112 = tpu.memref_squeeze %dma_start3A_111 : memref<1x4096xf32, #tpu.memory_space<hbm>> -> memref<4096xf32, #tpu.memory_space<hbm>>
    tpu.enqueue_dma source(%dma_start3A_112 : memref<4096xf32, #tpu.memory_space<hbm>>) target(%arg9 : memref<4096xf32, #tpu.memory_space<vmem>>) target_semaphore(%arg15 : memref<!tpu.dma_semaphore, #tpu.memory_space<semaphore_mem>>)
    %dma_wait3A_113 = arith.constant 0 : i32
    %dma_wait3A_114 = tpu.memref_slice %arg2[%add3A_88, %dma_wait3A_113] : memref<64x16384xf32, #tpu.memory_space<hbm>> -> memref<1x4096xf32, #tpu.memory_space<hbm>>
    %dma_wait3A_115 = tpu.memref_squeeze %dma_wait3A_114 : memref<1x4096xf32, #tpu.memory_space<hbm>> -> memref<4096xf32, #tpu.memory_space<hbm>>
    %dma_wait3A_116 = arith.constant 0 : i32
    %dma_wait3A_117 = tpu.memref_slice %arg2[%add3A_88, %dma_wait3A_116] : memref<64x16384xf32, #tpu.memory_space<hbm>> -> memref<1x4096xf32, #tpu.memory_space<hbm>>
    %dma_wait3A_118 = tpu.memref_squeeze %dma_wait3A_117 : memref<1x4096xf32, #tpu.memory_space<hbm>> -> memref<4096xf32, #tpu.memory_space<hbm>>
    tpu.wait_dma2 semaphore(%arg14 : memref<!tpu.dma_semaphore, #tpu.memory_space<semaphore_mem>>) src(%dma_wait3A_118 : memref<4096xf32, #tpu.memory_space<hbm>>) dst(%arg8 : memref<4096xf32, #tpu.memory_space<vmem>>)
    %scan3A_119 = arith.constant 0 : i32
    %scan3A_120 = arith.constant 64 : i32
    %scan3A_121 = arith.addi %scan3A_119, %scan3A_120 : i32
    %scan3A_122 = arith.constant 1 : i32
    %scan3A_123 = scf.for %scan3A_192 = %scan3A_119 to %scan3A_121 step %scan3A_122 iter_args(%scan3A_193 = %scan3A_85) -> (vector<16xf32>)  : i32 {
      %mul3A_194 = arith.constant 64 : i32
      %mul3A_195 = arith.muli %scan3A_192, %mul3A_194 : i32
      %add3A_196 = arith.constant 0 : i32
      %add3A_197 = arith.addi %mul3A_195, %add3A_196 : i32
      %add3A_198 = arith.constant 0 : i32
      %add3A_199 = arith.addi %add3A_198, %add3A_197 : i32
      %get3A = arith.index_cast %add3A_199 : i32 to index
      %get3A_200 = tpu.vector_load %arg6[%get3A] {strides = array<i32>} : memref<16384xi32, #tpu.memory_space<vmem>>, vector<16xi32>,
      %gather3A = tpu.vector_load_idx %arg7[%get3A_200] : memref<100000xf32, #tpu.memory_space<vmem>>[vector<16xi32>], vector<16xf32>,
      %get3A_201 = arith.index_cast %add3A_197 : i32 to index
      %get3A_202 = tpu.vector_load %arg8[%get3A_201] {strides = array<i32>} : memref<4096xf32, #tpu.memory_space<vmem>>, vector<16xf32>,
      %sub3A = arith.subf %get3A_202, %gather3A : vector<16xf32>
      %mul3A_203 = arith.mulf %sub3A, %sub3A : vector<16xf32>
      %add3A_204 = arith.addf %scan3A_193, %mul3A_203 : vector<16xf32>
      %mul3A_205 = arith.constant 64 : i32
      %mul3A_206 = arith.muli %scan3A_192, %mul3A_205 : i32
      %add3A_207 = arith.constant 16 : i32
      %add3A_208 = arith.addi %mul3A_206, %add3A_207 : i32
      %add3A_209 = arith.constant 0 : i32
      %add3A_210 = arith.addi %add3A_209, %add3A_208 : i32
      %get3A_211 = arith.index_cast %add3A_210 : i32 to index
      %get3A_212 = tpu.vector_load %arg6[%get3A_211] {strides = array<i32>} : memref<16384xi32, #tpu.memory_space<vmem>>, vector<16xi32>,
      %gather3A_213 = tpu.vector_load_idx %arg7[%get3A_212] : memref<100000xf32, #tpu.memory_space<vmem>>[vector<16xi32>], vector<16xf32>,
      %get3A_214 = arith.index_cast %add3A_208 : i32 to index
      %get3A_215 = tpu.vector_load %arg8[%get3A_214] {strides = array<i32>} : memref<4096xf32, #tpu.memory_space<vmem>>, vector<16xf32>,
      %sub3A_216 = arith.subf %get3A_215, %gather3A_213 : vector<16xf32>
      %mul3A_217 = arith.mulf %sub3A_216, %sub3A_216 : vector<16xf32>
      %add3A_218 = arith.addf %add3A_204, %mul3A_217 : vector<16xf32>
      %mul3A_219 = arith.constant 64 : i32
      %mul3A_220 = arith.muli %scan3A_192, %mul3A_219 : i32
      %add3A_221 = arith.constant 32 : i32
      %add3A_222 = arith.addi %mul3A_220, %add3A_221 : i32
      %add3A_223 = arith.constant 0 : i32
      %add3A_224 = arith.addi %add3A_223, %add3A_222 : i32
      %get3A_225 = arith.index_cast %add3A_224 : i32 to index
      %get3A_226 = tpu.vector_load %arg6[%get3A_225] {strides = array<i32>} : memref<16384xi32, #tpu.memory_space<vmem>>, vector<16xi32>,
      %gather3A_227 = tpu.vector_load_idx %arg7[%get3A_226] : memref<100000xf32, #tpu.memory_space<vmem>>[vector<16xi32>], vector<16xf32>,
      %get3A_228 = arith.index_cast %add3A_222 : i32 to index
      %get3A_229 = tpu.vector_load %arg8[%get3A_228] {strides = array<i32>} : memref<4096xf32, #tpu.memory_space<vmem>>, vector<16xf32>,
      %sub3A_230 = arith.subf %get3A_229, %gather3A_227 : vector<16xf32>
      %mul3A_231 = arith.mulf %sub3A_230, %sub3A_230 : vector<16xf32>
      %add3A_232 = arith.addf %add3A_218, %mul3A_231 : vector<16xf32>
      %mul3A_233 = arith.constant 64 : i32
      %mul3A_234 = arith.muli %scan3A_192, %mul3A_233 : i32
      %add3A_235 = arith.constant 48 : i32
      %add3A_236 = arith.addi %mul3A_234, %add3A_235 : i32
      %add3A_237 = arith.constant 0 : i32
      %add3A_238 = arith.addi %add3A_237, %add3A_236 : i32
      %get3A_239 = arith.index_cast %add3A_238 : i32 to index
      %get3A_240 = tpu.vector_load %arg6[%get3A_239] {strides = array<i32>} : memref<16384xi32, #tpu.memory_space<vmem>>, vector<16xi32>,
      %gather3A_241 = tpu.vector_load_idx %arg7[%get3A_240] : memref<100000xf32, #tpu.memory_space<vmem>>[vector<16xi32>], vector<16xf32>,
      %get3A_242 = arith.index_cast %add3A_236 : i32 to index
      %get3A_243 = tpu.vector_load %arg8[%get3A_242] {strides = array<i32>} : memref<4096xf32, #tpu.memory_space<vmem>>, vector<16xf32>,
      %sub3A_244 = arith.subf %get3A_243, %gather3A_241 : vector<16xf32>
      %mul3A_245 = arith.mulf %sub3A_244, %sub3A_244 : vector<16xf32>
      %add3A_246 = arith.addf %add3A_232, %mul3A_245 : vector<16xf32>
      scf.yield %add3A_246 : vector<16xf32>
    }
    %scan3A_124 = arith.constant 64 : i32
    %dma_start3A_125 = arith.constant 8192 : i32
    %dma_start3A_126 = tpu.memref_slice %arg2[%add3A_88, %dma_start3A_125] : memref<64x16384xf32, #tpu.memory_space<hbm>> -> memref<1x4096xf32, #tpu.memory_space<hbm>>
    %dma_start3A_127 = tpu.memref_squeeze %dma_start3A_126 : memref<1x4096xf32, #tpu.memory_space<hbm>> -> memref<4096xf32, #tpu.memory_space<hbm>>
    %dma_start3A_128 = arith.constant 8192 : i32
    %dma_start3A_129 = tpu.memref_slice %arg2[%add3A_88, %dma_start3A_128] : memref<64x16384xf32, #tpu.memory_space<hbm>> -> memref<1x4096xf32, #tpu.memory_space<hbm>>
    %dma_start3A_130 = tpu.memref_squeeze %dma_start3A_129 : memref<1x4096xf32, #tpu.memory_space<hbm>> -> memref<4096xf32, #tpu.memory_space<hbm>>
    tpu.enqueue_dma source(%dma_start3A_130 : memref<4096xf32, #tpu.memory_space<hbm>>) target(%arg8 : memref<4096xf32, #tpu.memory_space<vmem>>) target_semaphore(%arg14 : memref<!tpu.dma_semaphore, #tpu.memory_space<semaphore_mem>>)
    %dma_wait3A_131 = arith.constant 4096 : i32
    %dma_wait3A_132 = tpu.memref_slice %arg2[%add3A_88, %dma_wait3A_131] : memref<64x16384xf32, #tpu.memory_space<hbm>> -> memref<1x4096xf32, #tpu.memory_space<hbm>>
    %dma_wait3A_133 = tpu.memref_squeeze %dma_wait3A_132 : memref<1x4096xf32, #tpu.memory_space<hbm>> -> memref<4096xf32, #tpu.memory_space<hbm>>
    %dma_wait3A_134 = arith.constant 4096 : i32
    %dma_wait3A_135 = tpu.memref_slice %arg2[%add3A_88, %dma_wait3A_134] : memref<64x16384xf32, #tpu.memory_space<hbm>> -> memref<1x4096xf32, #tpu.memory_space<hbm>>
    %dma_wait3A_136 = tpu.memref_squeeze %dma_wait3A_135 : memref<1x4096xf32, #tpu.memory_space<hbm>> -> memref<4096xf32, #tpu.memory_space<hbm>>
    tpu.wait_dma2 semaphore(%arg15 : memref<!tpu.dma_semaphore, #tpu.memory_space<semaphore_mem>>) src(%dma_wait3A_136 : memref<4096xf32, #tpu.memory_space<hbm>>) dst(%arg9 : memref<4096xf32, #tpu.memory_space<vmem>>)
    %scan3A_137 = arith.constant 0 : i32
    %scan3A_138 = arith.constant 64 : i32
    %scan3A_139 = arith.addi %scan3A_137, %scan3A_138 : i32
    %scan3A_140 = arith.constant 1 : i32
    %scan3A_141 = scf.for %scan3A_192 = %scan3A_137 to %scan3A_139 step %scan3A_140 iter_args(%scan3A_193 = %scan3A_123) -> (vector<16xf32>)  : i32 {
      %mul3A_194 = arith.constant 64 : i32
      %mul3A_195 = arith.muli %scan3A_192, %mul3A_194 : i32
      %add3A_196 = arith.constant 0 : i32
      %add3A_197 = arith.addi %mul3A_195, %add3A_196 : i32
      %add3A_198 = arith.constant 4096 : i32
      %add3A_199 = arith.addi %add3A_198, %add3A_197 : i32
      %get3A = arith.index_cast %add3A_199 : i32 to index
      %get3A_200 = tpu.vector_load %arg6[%get3A] {strides = array<i32>} : memref<16384xi32, #tpu.memory_space<vmem>>, vector<16xi32>,
      %gather3A = tpu.vector_load_idx %arg7[%get3A_200] : memref<100000xf32, #tpu.memory_space<vmem>>[vector<16xi32>], vector<16xf32>,
      %get3A_201 = arith.index_cast %add3A_197 : i32 to index
      %get3A_202 = tpu.vector_load %arg9[%get3A_201] {strides = array<i32>} : memref<4096xf32, #tpu.memory_space<vmem>>, vector<16xf32>,
      %sub3A = arith.subf %get3A_202, %gather3A : vector<16xf32>
      %mul3A_203 = arith.mulf %sub3A, %sub3A : vector<16xf32>
      %add3A_204 = arith.addf %scan3A_193, %mul3A_203 : vector<16xf32>
      %mul3A_205 = arith.constant 64 : i32
      %mul3A_206 = arith.muli %scan3A_192, %mul3A_205 : i32
      %add3A_207 = arith.constant 16 : i32
      %add3A_208 = arith.addi %mul3A_206, %add3A_207 : i32
      %add3A_209 = arith.constant 4096 : i32
      %add3A_210 = arith.addi %add3A_209, %add3A_208 : i32
      %get3A_211 = arith.index_cast %add3A_210 : i32 to index
      %get3A_212 = tpu.vector_load %arg6[%get3A_211] {strides = array<i32>} : memref<16384xi32, #tpu.memory_space<vmem>>, vector<16xi32>,
      %gather3A_213 = tpu.vector_load_idx %arg7[%get3A_212] : memref<100000xf32, #tpu.memory_space<vmem>>[vector<16xi32>], vector<16xf32>,
      %get3A_214 = arith.index_cast %add3A_208 : i32 to index
      %get3A_215 = tpu.vector_load %arg9[%get3A_214] {strides = array<i32>} : memref<4096xf32, #tpu.memory_space<vmem>>, vector<16xf32>,
      %sub3A_216 = arith.subf %get3A_215, %gather3A_213 : vector<16xf32>
      %mul3A_217 = arith.mulf %sub3A_216, %sub3A_216 : vector<16xf32>
      %add3A_218 = arith.addf %add3A_204, %mul3A_217 : vector<16xf32>
      %mul3A_219 = arith.constant 64 : i32
      %mul3A_220 = arith.muli %scan3A_192, %mul3A_219 : i32
      %add3A_221 = arith.constant 32 : i32
      %add3A_222 = arith.addi %mul3A_220, %add3A_221 : i32
      %add3A_223 = arith.constant 4096 : i32
      %add3A_224 = arith.addi %add3A_223, %add3A_222 : i32
      %get3A_225 = arith.index_cast %add3A_224 : i32 to index
      %get3A_226 = tpu.vector_load %arg6[%get3A_225] {strides = array<i32>} : memref<16384xi32, #tpu.memory_space<vmem>>, vector<16xi32>,
      %gather3A_227 = tpu.vector_load_idx %arg7[%get3A_226] : memref<100000xf32, #tpu.memory_space<vmem>>[vector<16xi32>], vector<16xf32>,
      %get3A_228 = arith.index_cast %add3A_222 : i32 to index
      %get3A_229 = tpu.vector_load %arg9[%get3A_228] {strides = array<i32>} : memref<4096xf32, #tpu.memory_space<vmem>>, vector<16xf32>,
      %sub3A_230 = arith.subf %get3A_229, %gather3A_227 : vector<16xf32>
      %mul3A_231 = arith.mulf %sub3A_230, %sub3A_230 : vector<16xf32>
      %add3A_232 = arith.addf %add3A_218, %mul3A_231 : vector<16xf32>
      %mul3A_233 = arith.constant 64 : i32
      %mul3A_234 = arith.muli %scan3A_192, %mul3A_233 : i32
      %add3A_235 = arith.constant 48 : i32
      %add3A_236 = arith.addi %mul3A_234, %add3A_235 : i32
      %add3A_237 = arith.constant 4096 : i32
      %add3A_238 = arith.addi %add3A_237, %add3A_236 : i32
      %get3A_239 = arith.index_cast %add3A_238 : i32 to index
      %get3A_240 = tpu.vector_load %arg6[%get3A_239] {strides = array<i32>} : memref<16384xi32, #tpu.memory_space<vmem>>, vector<16xi32>,
      %gather3A_241 = tpu.vector_load_idx %arg7[%get3A_240] : memref<100000xf32, #tpu.memory_space<vmem>>[vector<16xi32>], vector<16xf32>,
      %get3A_242 = arith.index_cast %add3A_236 : i32 to index
      %get3A_243 = tpu.vector_load %arg9[%get3A_242] {strides = array<i32>} : memref<4096xf32, #tpu.memory_space<vmem>>, vector<16xf32>,
      %sub3A_244 = arith.subf %get3A_243, %gather3A_241 : vector<16xf32>
      %mul3A_245 = arith.mulf %sub3A_244, %sub3A_244 : vector<16xf32>
      %add3A_246 = arith.addf %add3A_232, %mul3A_245 : vector<16xf32>
      scf.yield %add3A_246 : vector<16xf32>
    }
    %scan3A_142 = arith.constant 64 : i32
    %dma_start3A_143 = arith.constant 12288 : i32
    %dma_start3A_144 = tpu.memref_slice %arg2[%add3A_88, %dma_start3A_143] : memref<64x16384xf32, #tpu.memory_space<hbm>> -> memref<1x4096xf32, #tpu.memory_space<hbm>>
    %dma_start3A_145 = tpu.memref_squeeze %dma_start3A_144 : memref<1x4096xf32, #tpu.memory_space<hbm>> -> memref<4096xf32, #tpu.memory_space<hbm>>
    %dma_start3A_146 = arith.constant 12288 : i32
    %dma_start3A_147 = tpu.memref_slice %arg2[%add3A_88, %dma_start3A_146] : memref<64x16384xf32, #tpu.memory_space<hbm>> -> memref<1x4096xf32, #tpu.memory_space<hbm>>
    %dma_start3A_148 = tpu.memref_squeeze %dma_start3A_147 : memref<1x4096xf32, #tpu.memory_space<hbm>> -> memref<4096xf32, #tpu.memory_space<hbm>>
    tpu.enqueue_dma source(%dma_start3A_148 : memref<4096xf32, #tpu.memory_space<hbm>>) target(%arg9 : memref<4096xf32, #tpu.memory_space<vmem>>) target_semaphore(%arg15 : memref<!tpu.dma_semaphore, #tpu.memory_space<semaphore_mem>>)
    %dma_wait3A_149 = arith.constant 8192 : i32
    %dma_wait3A_150 = tpu.memref_slice %arg2[%add3A_88, %dma_wait3A_149] : memref<64x16384xf32, #tpu.memory_space<hbm>> -> memref<1x4096xf32, #tpu.memory_space<hbm>>
    %dma_wait3A_151 = tpu.memref_squeeze %dma_wait3A_150 : memref<1x4096xf32, #tpu.memory_space<hbm>> -> memref<4096xf32, #tpu.memory_space<hbm>>
    %dma_wait3A_152 = arith.constant 8192 : i32
    %dma_wait3A_153 = tpu.memref_slice %arg2[%add3A_88, %dma_wait3A_152] : memref<64x16384xf32, #tpu.memory_space<hbm>> -> memref<1x4096xf32, #tpu.memory_space<hbm>>
    %dma_wait3A_154 = tpu.memref_squeeze %dma_wait3A_153 : memref<1x4096xf32, #tpu.memory_space<hbm>> -> memref<4096xf32, #tpu.memory_space<hbm>>
    tpu.wait_dma2 semaphore(%arg14 : memref<!tpu.dma_semaphore, #tpu.memory_space<semaphore_mem>>) src(%dma_wait3A_154 : memref<4096xf32, #tpu.memory_space<hbm>>) dst(%arg8 : memref<4096xf32, #tpu.memory_space<vmem>>)
    %scan3A_155 = arith.constant 0 : i32
    %scan3A_156 = arith.constant 64 : i32
    %scan3A_157 = arith.addi %scan3A_155, %scan3A_156 : i32
    %scan3A_158 = arith.constant 1 : i32
    %scan3A_159 = scf.for %scan3A_192 = %scan3A_155 to %scan3A_157 step %scan3A_158 iter_args(%scan3A_193 = %scan3A_141) -> (vector<16xf32>)  : i32 {
      %mul3A_194 = arith.constant 64 : i32
      %mul3A_195 = arith.muli %scan3A_192, %mul3A_194 : i32
      %add3A_196 = arith.constant 0 : i32
      %add3A_197 = arith.addi %mul3A_195, %add3A_196 : i32
      %add3A_198 = arith.constant 8192 : i32
      %add3A_199 = arith.addi %add3A_198, %add3A_197 : i32
      %get3A = arith.index_cast %add3A_199 : i32 to index
      %get3A_200 = tpu.vector_load %arg6[%get3A] {strides = array<i32>} : memref<16384xi32, #tpu.memory_space<vmem>>, vector<16xi32>,
      %gather3A = tpu.vector_load_idx %arg7[%get3A_200] : memref<100000xf32, #tpu.memory_space<vmem>>[vector<16xi32>], vector<16xf32>,
      %get3A_201 = arith.index_cast %add3A_197 : i32 to index
      %get3A_202 = tpu.vector_load %arg8[%get3A_201] {strides = array<i32>} : memref<4096xf32, #tpu.memory_space<vmem>>, vector<16xf32>,
      %sub3A = arith.subf %get3A_202, %gather3A : vector<16xf32>
      %mul3A_203 = arith.mulf %sub3A, %sub3A : vector<16xf32>
      %add3A_204 = arith.addf %scan3A_193, %mul3A_203 : vector<16xf32>
      %mul3A_205 = arith.constant 64 : i32
      %mul3A_206 = arith.muli %scan3A_192, %mul3A_205 : i32
      %add3A_207 = arith.constant 16 : i32
      %add3A_208 = arith.addi %mul3A_206, %add3A_207 : i32
      %add3A_209 = arith.constant 8192 : i32
      %add3A_210 = arith.addi %add3A_209, %add3A_208 : i32
      %get3A_211 = arith.index_cast %add3A_210 : i32 to index
      %get3A_212 = tpu.vector_load %arg6[%get3A_211] {strides = array<i32>} : memref<16384xi32, #tpu.memory_space<vmem>>, vector<16xi32>,
      %gather3A_213 = tpu.vector_load_idx %arg7[%get3A_212] : memref<100000xf32, #tpu.memory_space<vmem>>[vector<16xi32>], vector<16xf32>,
      %get3A_214 = arith.index_cast %add3A_208 : i32 to index
      %get3A_215 = tpu.vector_load %arg8[%get3A_214] {strides = array<i32>} : memref<4096xf32, #tpu.memory_space<vmem>>, vector<16xf32>,
      %sub3A_216 = arith.subf %get3A_215, %gather3A_213 : vector<16xf32>
      %mul3A_217 = arith.mulf %sub3A_216, %sub3A_216 : vector<16xf32>
      %add3A_218 = arith.addf %add3A_204, %mul3A_217 : vector<16xf32>
      %mul3A_219 = arith.constant 64 : i32
      %mul3A_220 = arith.muli %scan3A_192, %mul3A_219 : i32
      %add3A_221 = arith.constant 32 : i32
      %add3A_222 = arith.addi %mul3A_220, %add3A_221 : i32
      %add3A_223 = arith.constant 8192 : i32
      %add3A_224 = arith.addi %add3A_223, %add3A_222 : i32
      %get3A_225 = arith.index_cast %add3A_224 : i32 to index
      %get3A_226 = tpu.vector_load %arg6[%get3A_225] {strides = array<i32>} : memref<16384xi32, #tpu.memory_space<vmem>>, vector<16xi32>,
      %gather3A_227 = tpu.vector_load_idx %arg7[%get3A_226] : memref<100000xf32, #tpu.memory_space<vmem>>[vector<16xi32>], vector<16xf32>,
      %get3A_228 = arith.index_cast %add3A_222 : i32 to index
      %get3A_229 = tpu.vector_load %arg8[%get3A_228] {strides = array<i32>} : memref<4096xf32, #tpu.memory_space<vmem>>, vector<16xf32>,
      %sub3A_230 = arith.subf %get3A_229, %gather3A_227 : vector<16xf32>
      %mul3A_231 = arith.mulf %sub3A_230, %sub3A_230 : vector<16xf32>
      %add3A_232 = arith.addf %add3A_218, %mul3A_231 : vector<16xf32>
      %mul3A_233 = arith.constant 64 : i32
      %mul3A_234 = arith.muli %scan3A_192, %mul3A_233 : i32
      %add3A_235 = arith.constant 48 : i32
      %add3A_236 = arith.addi %mul3A_234, %add3A_235 : i32
      %add3A_237 = arith.constant 8192 : i32
      %add3A_238 = arith.addi %add3A_237, %add3A_236 : i32
      %get3A_239 = arith.index_cast %add3A_238 : i32 to index
      %get3A_240 = tpu.vector_load %arg6[%get3A_239] {strides = array<i32>} : memref<16384xi32, #tpu.memory_space<vmem>>, vector<16xi32>,
      %gather3A_241 = tpu.vector_load_idx %arg7[%get3A_240] : memref<100000xf32, #tpu.memory_space<vmem>>[vector<16xi32>], vector<16xf32>,
      %get3A_242 = arith.index_cast %add3A_236 : i32 to index
      %get3A_243 = tpu.vector_load %arg8[%get3A_242] {strides = array<i32>} : memref<4096xf32, #tpu.memory_space<vmem>>, vector<16xf32>,
      %sub3A_244 = arith.subf %get3A_243, %gather3A_241 : vector<16xf32>
      %mul3A_245 = arith.mulf %sub3A_244, %sub3A_244 : vector<16xf32>
      %add3A_246 = arith.addf %add3A_232, %mul3A_245 : vector<16xf32>
      scf.yield %add3A_246 : vector<16xf32>
    }
    %scan3A_160 = arith.constant 64 : i32
    %dma_wait3A_161 = arith.constant 12288 : i32
    %dma_wait3A_162 = tpu.memref_slice %arg2[%add3A_88, %dma_wait3A_161] : memref<64x16384xf32, #tpu.memory_space<hbm>> -> memref<1x4096xf32, #tpu.memory_space<hbm>>
    %dma_wait3A_163 = tpu.memref_squeeze %dma_wait3A_162 : memref<1x4096xf32, #tpu.memory_space<hbm>> -> memref<4096xf32, #tpu.memory_space<hbm>>
    %dma_wait3A_164 = arith.constant 12288 : i32
    %dma_wait3A_165 = tpu.memref_slice %arg2[%add3A_88, %dma_wait3A_164] : memref<64x16384xf32, #tpu.memory_space<hbm>> -> memref<1x4096xf32, #tpu.memory_space<hbm>>
    %dma_wait3A_166 = tpu.memref_squeeze %dma_wait3A_165 : memref<1x4096xf32, #tpu.memory_space<hbm>> -> memref<4096xf32, #tpu.memory_space<hbm>>
    tpu.wait_dma2 semaphore(%arg15 : memref<!tpu.dma_semaphore, #tpu.memory_space<semaphore_mem>>) src(%dma_wait3A_166 : memref<4096xf32, #tpu.memory_space<hbm>>) dst(%arg9 : memref<4096xf32, #tpu.memory_space<vmem>>)
    %scan3A_167 = arith.constant 0 : i32
    %scan3A_168 = arith.constant 64 : i32
    %scan3A_169 = arith.addi %scan3A_167, %scan3A_168 : i32
    %scan3A_170 = arith.constant 1 : i32
    %scan3A_171 = scf.for %scan3A_192 = %scan3A_167 to %scan3A_169 step %scan3A_170 iter_args(%scan3A_193 = %scan3A_159) -> (vector<16xf32>)  : i32 {
      %mul3A_194 = arith.constant 64 : i32
      %mul3A_195 = arith.muli %scan3A_192, %mul3A_194 : i32
      %add3A_196 = arith.constant 0 : i32
      %add3A_197 = arith.addi %mul3A_195, %add3A_196 : i32
      %add3A_198 = arith.constant 12288 : i32
      %add3A_199 = arith.addi %add3A_198, %add3A_197 : i32
      %get3A = arith.index_cast %add3A_199 : i32 to index
      %get3A_200 = tpu.vector_load %arg6[%get3A] {strides = array<i32>} : memref<16384xi32, #tpu.memory_space<vmem>>, vector<16xi32>,
      %gather3A = tpu.vector_load_idx %arg7[%get3A_200] : memref<100000xf32, #tpu.memory_space<vmem>>[vector<16xi32>], vector<16xf32>,
      %get3A_201 = arith.index_cast %add3A_197 : i32 to index
      %get3A_202 = tpu.vector_load %arg9[%get3A_201] {strides = array<i32>} : memref<4096xf32, #tpu.memory_space<vmem>>, vector<16xf32>,
      %sub3A = arith.subf %get3A_202, %gather3A : vector<16xf32>
      %mul3A_203 = arith.mulf %sub3A, %sub3A : vector<16xf32>
      %add3A_204 = arith.addf %scan3A_193, %mul3A_203 : vector<16xf32>
      %mul3A_205 = arith.constant 64 : i32
      %mul3A_206 = arith.muli %scan3A_192, %mul3A_205 : i32
      %add3A_207 = arith.constant 16 : i32
      %add3A_208 = arith.addi %mul3A_206, %add3A_207 : i32
      %add3A_209 = arith.constant 12288 : i32
      %add3A_210 = arith.addi %add3A_209, %add3A_208 : i32
      %get3A_211 = arith.index_cast %add3A_210 : i32 to index
      %get3A_212 = tpu.vector_load %arg6[%get3A_211] {strides = array<i32>} : memref<16384xi32, #tpu.memory_space<vmem>>, vector<16xi32>,
      %gather3A_213 = tpu.vector_load_idx %arg7[%get3A_212] : memref<100000xf32, #tpu.memory_space<vmem>>[vector<16xi32>], vector<16xf32>,
      %get3A_214 = arith.index_cast %add3A_208 : i32 to index
      %get3A_215 = tpu.vector_load %arg9[%get3A_214] {strides = array<i32>} : memref<4096xf32, #tpu.memory_space<vmem>>, vector<16xf32>,
      %sub3A_216 = arith.subf %get3A_215, %gather3A_213 : vector<16xf32>
      %mul3A_217 = arith.mulf %sub3A_216, %sub3A_216 : vector<16xf32>
      %add3A_218 = arith.addf %add3A_204, %mul3A_217 : vector<16xf32>
      %mul3A_219 = arith.constant 64 : i32
      %mul3A_220 = arith.muli %scan3A_192, %mul3A_219 : i32
      %add3A_221 = arith.constant 32 : i32
      %add3A_222 = arith.addi %mul3A_220, %add3A_221 : i32
      %add3A_223 = arith.constant 12288 : i32
      %add3A_224 = arith.addi %add3A_223, %add3A_222 : i32
      %get3A_225 = arith.index_cast %add3A_224 : i32 to index
      %get3A_226 = tpu.vector_load %arg6[%get3A_225] {strides = array<i32>} : memref<16384xi32, #tpu.memory_space<vmem>>, vector<16xi32>,
      %gather3A_227 = tpu.vector_load_idx %arg7[%get3A_226] : memref<100000xf32, #tpu.memory_space<vmem>>[vector<16xi32>], vector<16xf32>,
      %get3A_228 = arith.index_cast %add3A_222 : i32 to index
      %get3A_229 = tpu.vector_load %arg9[%get3A_228] {strides = array<i32>} : memref<4096xf32, #tpu.memory_space<vmem>>, vector<16xf32>,
      %sub3A_230 = arith.subf %get3A_229, %gather3A_227 : vector<16xf32>
      %mul3A_231 = arith.mulf %sub3A_230, %sub3A_230 : vector<16xf32>
      %add3A_232 = arith.addf %add3A_218, %mul3A_231 : vector<16xf32>
      %mul3A_233 = arith.constant 64 : i32
      %mul3A_234 = arith.muli %scan3A_192, %mul3A_233 : i32
      %add3A_235 = arith.constant 48 : i32
      %add3A_236 = arith.addi %mul3A_234, %add3A_235 : i32
      %add3A_237 = arith.constant 12288 : i32
      %add3A_238 = arith.addi %add3A_237, %add3A_236 : i32
      %get3A_239 = arith.index_cast %add3A_238 : i32 to index
      %get3A_240 = tpu.vector_load %arg6[%get3A_239] {strides = array<i32>} : memref<16384xi32, #tpu.memory_space<vmem>>, vector<16xi32>,
      %gather3A_241 = tpu.vector_load_idx %arg7[%get3A_240] : memref<100000xf32, #tpu.memory_space<vmem>>[vector<16xi32>], vector<16xf32>,
      %get3A_242 = arith.index_cast %add3A_236 : i32 to index
      %get3A_243 = tpu.vector_load %arg9[%get3A_242] {strides = array<i32>} : memref<4096xf32, #tpu.memory_space<vmem>>, vector<16xf32>,
      %sub3A_244 = arith.subf %get3A_243, %gather3A_241 : vector<16xf32>
      %mul3A_245 = arith.mulf %sub3A_244, %sub3A_244 : vector<16xf32>
      %add3A_246 = arith.addf %add3A_232, %mul3A_245 : vector<16xf32>
      scf.yield %add3A_246 : vector<16xf32>
    }
    %scan3A_172 = arith.constant 64 : i32
    %broadcast_in_dim3A_173 = arith.constant 0.000000e+00 : f32
    %broadcast_in_dim3A_174 = vector.broadcast %broadcast_in_dim3A_173 : f32 to vector<16xf32>
    %swap3A = arith.constant 0 : index
    %swap3A_175 = tpu.vector_load %arg10[%swap3A] {strides = array<i32>} : memref<128xf32, #tpu.memory_space<vmem>>, vector<16xf32>,
    tpu.vector_store %arg10[%swap3A], %broadcast_in_dim3A_174 {strides = array<i32>} : memref<128xf32, #tpu.memory_space<vmem>>, vector<16xf32>,
    %swap3A_176 = arith.constant 16 : index
    %swap3A_177 = tpu.vector_load %arg10[%swap3A_176] {strides = array<i32>} : memref<128xf32, #tpu.memory_space<vmem>>, vector<16xf32>,
    tpu.vector_store %arg10[%swap3A_176], %broadcast_in_dim3A_174 {strides = array<i32>} : memref<128xf32, #tpu.memory_space<vmem>>, vector<16xf32>,
    %swap3A_178 = arith.constant 32 : index
    %swap3A_179 = tpu.vector_load %arg10[%swap3A_178] {strides = array<i32>} : memref<128xf32, #tpu.memory_space<vmem>>, vector<16xf32>,
    tpu.vector_store %arg10[%swap3A_178], %broadcast_in_dim3A_174 {strides = array<i32>} : memref<128xf32, #tpu.memory_space<vmem>>, vector<16xf32>,
    %swap3A_180 = arith.constant 48 : index
    %swap3A_181 = tpu.vector_load %arg10[%swap3A_180] {strides = array<i32>} : memref<128xf32, #tpu.memory_space<vmem>>, vector<16xf32>,
    tpu.vector_store %arg10[%swap3A_180], %broadcast_in_dim3A_174 {strides = array<i32>} : memref<128xf32, #tpu.memory_space<vmem>>, vector<16xf32>,
    %swap3A_182 = arith.constant 64 : index
    %swap3A_183 = tpu.vector_load %arg10[%swap3A_182] {strides = array<i32>} : memref<128xf32, #tpu.memory_space<vmem>>, vector<16xf32>,
    tpu.vector_store %arg10[%swap3A_182], %broadcast_in_dim3A_174 {strides = array<i32>} : memref<128xf32, #tpu.memory_space<vmem>>, vector<16xf32>,
    %swap3A_184 = arith.constant 80 : index
    %swap3A_185 = tpu.vector_load %arg10[%swap3A_184] {strides = array<i32>} : memref<128xf32, #tpu.memory_space<vmem>>, vector<16xf32>,
    tpu.vector_store %arg10[%swap3A_184], %broadcast_in_dim3A_174 {strides = array<i32>} : memref<128xf32, #tpu.memory_space<vmem>>, vector<16xf32>,
    %swap3A_186 = arith.constant 96 : index
    %swap3A_187 = tpu.vector_load %arg10[%swap3A_186] {strides = array<i32>} : memref<128xf32, #tpu.memory_space<vmem>>, vector<16xf32>,
    tpu.vector_store %arg10[%swap3A_186], %broadcast_in_dim3A_174 {strides = array<i32>} : memref<128xf32, #tpu.memory_space<vmem>>, vector<16xf32>,
    %swap3A_188 = arith.constant 112 : index
    %swap3A_189 = tpu.vector_load %arg10[%swap3A_188] {strides = array<i32>} : memref<128xf32, #tpu.memory_space<vmem>>, vector<16xf32>,
    tpu.vector_store %arg10[%swap3A_188], %broadcast_in_dim3A_174 {strides = array<i32>} : memref<128xf32, #tpu.memory_space<vmem>>, vector<16xf32>,
    %swap3A_190 = arith.constant 0 : index
    %swap3A_191 = tpu.vector_load %arg10[%swap3A_190] {strides = array<i32>} : memref<128xf32, #tpu.memory_space<vmem>>, vector<16xf32>,
    tpu.vector_store %arg10[%swap3A_190], %scan3A_171 {strides = array<i32>} : memref<128xf32, #tpu.memory_space<vmem>>, vector<16xf32>,
    "tpu.region"() ({
      %run_scoped3A = tpu.sem_alloc : memref<!tpu.dma_semaphore, #tpu.memory_space<semaphore_mem>>
      %dma_start3A_192 = arith.constant 0 : i32
      %dma_start3A_193 = tpu.memref_slice %arg5[%add3A, %dma_start3A_192] : memref<32x128xf32, #tpu.memory_space<hbm>> -> memref<1x128xf32, #tpu.memory_space<hbm>>
      %dma_start3A_194 = tpu.memref_squeeze %dma_start3A_193 : memref<1x128xf32, #tpu.memory_space<hbm>> -> memref<128xf32, #tpu.memory_space<hbm>>
      %dma_start3A_195 = arith.constant 0 : i32
      %dma_start3A_196 = tpu.memref_slice %arg5[%add3A, %dma_start3A_195] : memref<32x128xf32, #tpu.memory_space<hbm>> -> memref<1x128xf32, #tpu.memory_space<hbm>>
      %dma_start3A_197 = tpu.memref_squeeze %dma_start3A_196 : memref<1x128xf32, #tpu.memory_space<hbm>> -> memref<128xf32, #tpu.memory_space<hbm>>
      tpu.enqueue_dma source(%arg10 : memref<128xf32, #tpu.memory_space<vmem>>) target(%dma_start3A_197 : memref<128xf32, #tpu.memory_space<hbm>>) target_semaphore(%run_scoped3A : memref<!tpu.dma_semaphore, #tpu.memory_space<semaphore_mem>>)
      %dma_wait3A_198 = arith.constant 0 : i32
      %dma_wait3A_199 = tpu.memref_slice %arg5[%add3A, %dma_wait3A_198] : memref<32x128xf32, #tpu.memory_space<hbm>> -> memref<1x128xf32, #tpu.memory_space<hbm>>
      %dma_wait3A_200 = tpu.memref_squeeze %dma_wait3A_199 : memref<1x128xf32, #tpu.memory_space<hbm>> -> memref<128xf32, #tpu.memory_space<hbm>>
      %dma_wait3A_201 = arith.constant 0 : i32
      %dma_wait3A_202 = tpu.memref_slice %arg5[%add3A, %dma_wait3A_201] : memref<32x128xf32, #tpu.memory_space<hbm>> -> memref<1x128xf32, #tpu.memory_space<hbm>>
      %dma_wait3A_203 = tpu.memref_squeeze %dma_wait3A_202 : memref<1x128xf32, #tpu.memory_space<hbm>> -> memref<128xf32, #tpu.memory_space<hbm>>
      tpu.wait_dma2 semaphore(%run_scoped3A : memref<!tpu.dma_semaphore, #tpu.memory_space<semaphore_mem>>) src(%arg10 : memref<128xf32, #tpu.memory_space<vmem>>) dst(%dma_wait3A_203 : memref<128xf32, #tpu.memory_space<hbm>>)
      tpu.yield
    }) : () -> ()
    return
  }
}

module attributes {stable_mosaic.version = 14 : i64} {
  func.func @_tc_reduce(%arg0: memref<32x128xf32, #tpu.memory_space<vmem>>, %arg1: memref<1x1xf32, #tpu.memory_space<smem>>) attributes {dimension_semantics = [], scalar_prefetch = 0 : i64, scratch_operands = 0 : i64, tpu.core_type = #tpu.core_type<tc>} {
    %get3A = arith.constant 0 : index
    %get3A_0 = arith.constant 0 : index
    %get3A_1 = vector.load %arg0[%get3A, %get3A_0] : memref<32x128xf32, #tpu.memory_space<vmem>>, vector<32x128xf32>
    %reduce_sum3A = vector.shape_cast %get3A_1 : vector<32x128xf32> to vector<1x32x128xf32>
    %reduce_sum3A_2 = arith.constant dense<0.000000e+00> : vector<1xf32>
    %reduce_sum3A_3 = vector.multi_reduction <add>, %reduce_sum3A, %reduce_sum3A_2 [1, 2] : vector<1x32x128xf32> to vector<1xf32>
    %reduce_sum3A_4 = vector.shape_cast %reduce_sum3A_3 : vector<1xf32> to vector<1x1x1xf32>
    %reduce_sum3A_5 = vector.extract %reduce_sum3A_4[0, 0, 0] : f32 from vector<1x1x1xf32>
    %mul3A = arith.constant 6.10351563E-5 : f32
    %mul3A_6 = arith.mulf %reduce_sum3A_5, %mul3A : f32
    %swap3A = arith.constant 0 : index
    %swap3A_7 = arith.constant 0 : index
    %swap3A_8 = memref.load %arg1[%swap3A, %swap3A_7] : memref<1x1xf32, #tpu.memory_space<smem>>
    memref.store %mul3A_6, %arg1[%swap3A, %swap3A_7] : memref<1x1xf32, #tpu.memory_space<smem>>
    return
  }
}

</mosaic_0001>

<sc_bundles>
// kernel: kernel.4.cloned.1.call-start
scs
__scs_entry_jumppad:
0x0: {  	(pc) =	sbr.rel $0x88, $3  }
0x1: {  	(tag) =	ssettag $0x0;
	lr =	simm.s32 $0x1  }
0x2: {  	[smem:$0x3F9E] =	sst lr;
	_ =	strace $0xD0000000  }
0x3: {  	_ = 	snop  }
0x4: {  	_ = 	snop  }
0x5: {  	_ = 	snop  }
0x6: {  	_ = 	snop  }
0x7: {  	_ = 	snop  }
__scs_overlays_trampoline_lowered:
0x8: {  	[smem:$0x3FAD] =	sst s0  }
0x9: {  	[smem:$0x3FAE] =	sst s1  }
0xa: {  	[smem:$0x3FAF] =	sst s2  }
0xb: {  	[smem:$0x3FB0] =	sst s3  }
0xc: {  	[smem:$0x3FB1] =	sst s4  }
0xd: {  	[smem:$0x3FB2] =	sst s5  }
0xe: {  	[smem:$0x3FB3] =	sst s6  }
0xf: {  	[smem:$0x3FB4] =	sst s7  }
0x10: {  	[smem:$0x3FB5] =	sst s8  }
0x11: {  	[smem:$0x3FB6] =	sst s9;
	s0 =	simm.s32 @!p0 $0x0  }
0x12: {  	s1 =	sld [smem:$0x3F9C];
	s0 =	simm.s32 @p0 $0x1  }
0x13: {  	[smem:$0x3FB7] =	sst s0;
	s0 =	simm.s32 @!p1 $0x0  }
0x14: {  	s2 =	sld [smem:$0x3F9B];
	s0 =	simm.s32 @p1 $0x1  }
0x15: {  	[smem:$0x3FB8] =	sst s0;
	s0 =	simm.s32 @!p2 $0x0  }
0x16: {  	s3 =	sld [smem:$0x3FDB];
	s0 =	simm.s32 @p2 $0x1  }
0x17: {  	s4 =	simm.s32 $0x1BF5;
	[smem:$0x3FBA] =	sst s0  }
0x18: {  	s0 =	sld [smem:$0x3F9D];
	_ =	swait.ge [sflag:s4], $0x0  }
0x19: {  	s7 =	sld [smem:$0x3F9E]  }
0x1a: {  	s8 =	sadd.s32 $0xFFFFE003, lr  }
0x1b: {  	s9 =	sadd.s32 $0xFFFFFEF7, lr;
	s5 =	simm.s32 $0xFFFFFFFF;
	p2 =	slt.u32 s8, $0xFFFFF086  }
0x1c: {  	p1 =	slt.u32 s9, $0xF7A;
	s5 =	simm.s32 @!p2 $0x0  }
0x1d: {  	s5 =	simm.s32 @p1 $0x1;
	p0 =	seq.s32 s7, s2  }
0x1e: {  	s7 =	smul.u32 @!p0 $0xF7A, s2;
	p2 =	seq.s32 @!p0 s5, $0x0  }
0x1f: {  	s9 =	smul.u32 $0xF7A, s1;
	s8 =	simm.s32 @!p0 $0x1BF5;
	p2 =	por !p2, p0  }
0x20: {  	[sflag:s8] =	ssyncset.s32 @!p0 $0xFFFFF086;
	s6 =	sadd.s32 @!p0 s3, s7;
	s7 =	simm.s32 @!p0 $0x108  }
0x21: {  	s3 =	sadd.s32 s3, s9;
	s6 =	sadd.s32 @!p0 $0x88, s6;
	s7 =	simm.s32 @p2 $0x1082  }
0x22: {  	[simem:s7], [sflag:s8] =	dma.local @!p0 [hbm:s6], $0xF7A  }
0x23: {  	s9 =	sor.u32 $0xD0000000, s2;
	s6 =	simm.s32 $0x108;
	_ =	swait.ge @!p0 [sflag:s8], $0x0  }
0x24: {  	s3 =	sadd.s32 $0x88, s3;
	s6 =	simm.s32 @!p1 $0x1082;
	[sflag:s4] =	ssyncset.s32 $0xFFFFF086  }
0x25: {  	[simem:s6], [sflag:s4] =	dma.local [hbm:s3], $0xF7A  }
0x26: {  	[smem:$0x3F9E] =	sst s1;
	(tag) =	ssettag s2;
	_ =	strace s9  }
0x27: {  	s1 =	sld [smem:$0x3FAE]  }
0x28: {  	s2 =	sld [smem:$0x3FAF]  }
0x29: {  	s4 =	sld [smem:$0x3FB1]  }
0x2a: {  	p0 =	seq.s32 s5, $0x0;
	s5 =	sld [smem:$0x3FB2]  }
0x2b: {  	s6 =	sld [smem:$0x3FB3]  }
0x2c: {  	s7 =	sld [smem:$0x3FB4]  }
0x2d: {  	s3 =	simm.s32 $0x108;
	s8 =	sld [smem:$0x3FB5]  }
0x2e: {  	s3 =	simm.s32 @!p0 $0x1082;
	s9 =	sld [smem:$0x3FB6]  }
0x2f: {  	lr =	sadd.s32 s0, s3;
	s0 =	sld [smem:$0x3FAD]  }
0x30: {  	s3 =	sld [smem:$0x3FB0]  }
0x31: {  	[smem:$0x3FB9] =	sst s10  }
0x32: {  	s10 =	sld [smem:$0x3FB7];
	_ =	sdelay $0x3  }
0x33: {  	p0 =	seq.s32 s10, $0x1;
	s10 =	sld [smem:$0x3FB9];
	_ =	sdelay $0x3  }
0x34: {  	[smem:$0x3FB9] =	sst s10  }
0x35: {  	s10 =	sld [smem:$0x3FB8];
	_ =	sdelay $0x3  }
0x36: {  	p1 =	seq.s32 s10, $0x1;
	s10 =	sld [smem:$0x3FB9];
	_ =	sdelay $0x3  }
0x37: {  	[smem:$0x3FB9] =	sst s10  }
0x38: {  	s10 =	sld [smem:$0x3FBA]  }
0x39: {  	_ = 	snop;
	(pc) =	sbr.ind lr, $3  }
0x3a: {  	_ = 	snop  }
0x3b: {  	_ = 	snop  }
0x3c: {  	p2 =	seq.s32 s10, $0x1;
	s10 =	sld [smem:$0x3FB9]  }
0x3d: {  	_ =	shalt  }
0x3e: {  	_ =	shalt  }
0x3f: {  	_ =	shalt  }
0x40: {  	_ =	shalt  }
0x41: {  	_ =	shalt  }
0x42: {  	_ =	shalt  }
0x43: {  	_ =	shalt  }
0x44: {  	_ =	shalt  }
0x45: {  	_ =	shalt  }
0x46: {  	_ =	shalt  }
0x47: {  	_ =	shalt  }
0x48: {  	_ =	shalt  }
0x49: {  	_ =	shalt  }
0x4a: {  	_ =	shalt  }
0x4b: {  	_ =	shalt  }
0x4c: {  	_ =	shalt  }
0x4d: {  	_ =	shalt  }
0x4e: {  	_ =	shalt  }
0x4f: {  	_ =	shalt  }
0x50: {  	_ =	shalt  }
0x51: {  	_ =	shalt  }
0x52: {  	_ =	shalt  }
0x53: {  	_ =	shalt  }
0x54: {  	_ =	shalt  }
0x55: {  	_ =	shalt  }
0x56: {  	_ =	shalt  }
0x57: {  	_ =	shalt  }
0x58: {  	_ =	shalt  }
0x59: {  	_ =	shalt  }
0x5a: {  	_ =	shalt  }
0x5b: {  	_ =	shalt  }
0x5c: {  	_ =	shalt  }
0x5d: {  	_ =	shalt  }
0x5e: {  	_ =	shalt  }
0x5f: {  	_ =	shalt  }
0x60: {  	_ =	shalt  }
0x61: {  	_ =	shalt  }
0x62: {  	_ =	shalt  }
0x63: {  	_ =	shalt  }
0x64: {  	_ =	shalt  }
0x65: {  	_ =	shalt  }
0x66: {  	_ =	shalt  }
0x67: {  	_ =	shalt  }
0x68: {  	_ =	shalt  }
0x69: {  	_ =	shalt  }
0x6a: {  	_ =	shalt  }
0x6b: {  	_ =	shalt  }
0x6c: {  	_ =	shalt  }
0x6d: {  	_ =	shalt  }
0x6e: {  	_ =	shalt  }
0x6f: {  	_ =	shalt  }
0x70: {  	_ =	shalt  }
0x71: {  	_ =	shalt  }
0x72: {  	_ =	shalt  }
0x73: {  	_ =	shalt  }
0x74: {  	_ =	shalt  }
0x75: {  	_ =	shalt  }
0x76: {  	_ =	shalt  }
0x77: {  	_ =	shalt  }
0x78: {  	_ =	shalt  }
0x79: {  	_ =	shalt  }
0x7a: {  	_ =	shalt  }
0x7b: {  	_ =	shalt  }
0x7c: {  	_ =	shalt  }
0x7d: {  	_ =	shalt  }
0x7e: {  	_ =	shalt  }
0x7f: {  	_ =	shalt  }
0x80: {  	_ =	shalt  }
0x81: {  	_ =	shalt  }
0x82: {  	_ =	shalt  }
0x83: {  	_ =	shalt  }
0x84: {  	_ =	shalt  }
0x85: {  	_ =	shalt  }
0x86: {  	_ =	shalt  }
0x87: {  	_ =	shalt  }
.Lfunc_end0:
.L_simem_size_0:
called_computation_lowered:
.L_overlay_start_0:
0x88: {  	s2 =	sld [smem:$0x3FD9]  }
0x89: {  	s3 =	sld [smem:$0x3FFE];
	_ =	sdelay $0x1  }
0x8a: {  	s1 =	srdreg.scid  }
0x8b: {  	s0 =	sand.u32 $0x1, s1  }
0x8c: {  	s17 =	sshll.u32 s0, $0xA;
	s2 =	sadd.s32 s3, s2  }
0x8d: {  	s2 =	sadd.s32 s2, s17  }
0x8e: {  	[smem:$0x3FC5] =	sst s2  }
0x8f: {  	_ = 	snop  }
0x90: {  	s2 =	sld [smem:$0x3FC9]  }
0x91: {  	s18 =	sld [smem:$0x3FC8]  }
0x92: {  	s4 =	sld [smem:$0x3FC7];
	(tm) =	ssettm $0x1  }
0x93: {  	s5 =	sld [smem:$0x3FFB];
	_ =	sdelay $0x3  }
0x94: {  	_ =	strace s5  }
0x95: {  	s5 =	sld [smem:$0x3FFC];
	_ =	sdelay $0x3  }
0x96: {  	_ =	strace s5  }
0x97: {  	s5 =	sld [smem:$0x3FFD];
	_ =	sdelay $0x3  }
0x98: {  	_ =	strace s5  }
0x99: {  	_ =	strace $0x8FFFFFFF  }
0x9a: {  	s19 =	sld [smem:$0x3FDB];
	_ =	sdelay $0x1  }
0x9b: {  	s6 =	simm.s32 $_scs_section_size  }
0x9c: {  	s7 =	simm.s32 $_size__tile_overlayer_lowered;
	s8 =	simm.s32 $_tile_overlayer_lowered  }
0x9d: {  	s22 =	simm.s32 $0x1BFF;
	s21 =	sshll.u32 s8, $0x1;
	s5 =	sadd.s32 s6, s19  }
0x9e: {  	s9 =	simm.s32 $0x0;
	s20 =	sshll.u32 s7, $0x1;
	s7 =	sadd.s32 s21, s5  }
0x9f: {  	[timem:s9], [sflag:s22] =	dma.local [hbm:s7], s20  }
0xa0: {  	_ =	swait.ge [sflag:s22], s20  }
0xa1: {  	s6 =	ssub.s32 $0x0, s20;
	[sflag:s22] =	ssyncset.done $0x0  }
0xa2: {  	[sflag:s22] =	ssyncadd.s32 s6;
	_ =	sdelay $0x1  }
0xa3: {  	s23 =	simm.s32 $0x1B8B  }
0xa4: {  	_ =	swait.ge [sflag:s23], $0x1  }
0xa5: {  	[sflag:s23] =	ssyncset.done $0x0  }
0xa6: {  	s25 =	simm.s32 $0x1B8E;
	s24 =	sld [smem:$0x3FFE];
	[sflag:s23] =	ssyncadd.s32 $0xFFFFFFFF  }
0xa7: {  	s26 =	simm.s32 $execute0_lowered;
	[smem:$0x3FD2] =	sst s25  }
0xa8: {  	s7 =	sshll.u32 s26, $0x1;
	_ =	strace $0x80000046;
	[dreg:$0x1] =	wrdreg $0xFFFFFFFF  }
0xa9: {  	s28 =	simm.s32 $_size_execute0_lowered;
	s5 =	sadd.s32 s5, s7;
	[dreg:$0x0] =	wrdreg $0x0  }
0xaa: {  	s7 =	sshll.u32 s28, $0x1;
	[dreg:$0x2] =	wrdreg s5  }
0xab: {  	[dreg:$0x3] =	wrdreg s7  }
0xac: {  	[dreg:$0x4] =	wrdreg $0xC0  }
0xad: {  	_ =	task [dreg:s9], $0x5FFFF  }
0xae: {  	[dreg:$0x1] =	wrdreg $0xFFFFFFFF  }
0xaf: {  	[dreg:$0x0] =	wrdreg $0x60  }
0xb0: {  	[dreg:$0x2] =	wrdreg s2  }
0xb1: {  	[dreg:$0x3] =	wrdreg s18  }
0xb2: {  	[dreg:$0x4] =	wrdreg s4  }
0xb3: {  	[dreg:$0x5] =	wrdreg s24  }
0xb4: {  	[dreg:$0x6] =	wrdreg $0x1E7800  }
0xb5: {  	[dreg:$0x7] =	wrdreg $0x9  }
0xb6: {  	_ =	task.clear_ibuf [dreg:s9], $0x8FFFF;
	_ =	strace $0x90000046  }
0xb7: {  	s29 =	simm.s32 $0x9;
	_ =	strace $0x80000048  }
0xb8: {  	_ =	swait.ge [sflag:s29], $0x1  }
0xb9: {  	[sflag:s29] =	ssyncadd.s32 $0xFFFFFFFF  }
0xba: {  	_ =	strace $0x90000048  }
0xbb: {  	_ =	sfence  }
0xbc: {  	s30 =	sld [smem:$0x0];
	_ =	sdelay $0x2  }
0xbd: {  	s31 =	sshll.u32 s1, $0xD;
	s1 =	sshrl.u32 s1, $0x2  }
0xbe: {  	s3 =	sand.u32 $0x4000, s31;
	s1 =	sadd.s32 s1, s30  }
0xbf: {  	s0 =	sor.u32 s3, s0;
	s1 =	sshll.u32 s1, $0x11  }
0xc0: {  	s0 =	sor.u32 s1, s0  }
0xc1: {  	s0 =	sadd.s32 $0x8F2B, s0  }
0xc2: {  	[sflag:s0] =	ssyncadd.remote.s32 $0x1  }
0xc3: {  	_ =	sfence.sel $0xFFFF  }
0xc4: {  	[dreg:$0x0] =	wrdreg $0xFFFFFFFF;
	(pc) =	sbr.abs _section_cstart, $3  }
0xc5: {  	[dreg:$0x1] =	wrdreg $0xFFFFFFFF  }
0xc6: {  	_ =	task.clear_ibuf [dreg:s9], $0x2FFFF;
	_ =	strace $0x9FFFFFFF  }
0xc7: {  	(tm) =	ssettm $0x7FFFFFFF  }
tec
execute0_lowered:
.L_overlay_start_1:
0x0: {  	(tag) =	ssettag $0x1  }
0x1: {  	s10 =	rddreg [dreg:$0x0]  }
0x2: {  	s1 =	rddreg [dreg:$0x1]  }
0x3: {  	s9 =	rddreg [dreg:$0x2]  }
0x4: {  	s4 =	rddreg [dreg:$0x3]  }
0x5: {  	s2 =	rddreg [dreg:$0x4];
	s5 =	srdreg.scid  }
0x6: {  	s16 =	stileid.u32;
	s3 =	simm.s32 $0x0;
	s20 =	simm.s32 $0x1  }
0x7: {  	s21 =	simm.s32 $0x2;
	s22 =	simm.s32 $0x1D700;
	s23 =	simm.s32 $0x3  }
0x8: {  	s28 =	simm.s32 $0x0;
	s5 =	sand.u32 $0x1, s5;
	s6 =	sshll.u32 s16, $0x1  }
0x9: {  	[smem:$0x7FF] =	sst s3;
	s8 =	sshrl.u32 s16, $0x1;
	s13 =	sadd.s32 $0x1000, s10  }
0xa: {  	s17 =	sadd.s32 $0x2000, s10;
	s31 =	sadd.s32 $0x3000, s10;
	p0 =	sne.s32 s16, $0x0  }
0xb: {  	s16 =	simm.s32 $0x80;
	s6 =	sor.u32 s5, s6;
	_ =	strace $0x80000047  }
0xc: {  	s11 =	smul.u32 $0xC3800, s8;
	s5 =	ssub.s32 $0x2, s5;
	s8 =	sshll.u32 s8, $0x11  }
0xd: {  	s7 =	sshll.u32 s6, $0x4;
	s24 =	sshll.u32 s6, $0x8;
	s26 =	sshrl.u32 s5, $0x1  }
0xe: {  	s14 =	sadd.s32 s7, s4;
	s25 =	sand.u32 $0x300, s24;
	s15 =	ssub.s32 s5, s26  }
0xf: {  	s24 =	simm.s32 $0x4;
	s26 =	simm.s32 $0x5;
	s29 =	sor.u32 s11, s25  }
0x10: {  	s12 =	sor.u32 s8, s25;
	s18 =	sor.u32 $0x80, s25;
	s14 =	sadd.s32 $0x600, s14  }
0x11: {  	s15 =	smax.u32 s15, $0x1;
	s25 =	simm.s32 $0x1E700;
	s30 =	sshrl.u32 s29, $0x3  }
0x12: {  	s12 =	sshrl.u32 s12, $0x3;
	s11 =	sor.u32 s11, s18;
	s8 =	sor.u32 s8, s18  }
0x13: {  	s18 =	simm.s32 $0x4000;
	s4 =	sadd.s32 s9, s30;
	s5 =	sadd.s32 s10, s12  }
0x14: {  	s6 =	sadd.s32 s12, s13;
	s7 =	sadd.s32 s12, s17;
	s11 =	sshrl.u32 s11, $0x3  }
0x15: {  	s19 =	sshrl.u32 s8, $0x3;
	s8 =	sadd.s32 s12, s31;
	s9 =	sadd.s32 s9, s11  }
0x16: {  	s10 =	sadd.s32 s10, s19;
	s11 =	sadd.s32 s19, s13;
	s12 =	sadd.s32 s19, s17  }
0x17: {  	v0 =	vimm.f32 $0.0e+00;
	s13 =	sadd.s32 s19, s31;
	s17 =	simm.s32 $0x400;
	s19 =	simm.s32 $0x1C700  }
.LBB2_1:
0x18: {  	[tilespmem:s18], [sflag:$0x2] =	stream.strided.gather [hbm4b:s4+s16], $0x18700, s17, s16, $0x38;
	[tilespmem:$0x1EB80] =	vst v63  }
0x19: {  	s29 =	sshrl.u32 @!p0 s2, $0x3;
	s30 =	simm.s32 @!p0 $0x1C05  }
0x1a: {  	[tilespmem:s19], [sflag:$0x3] =	stream.strided.gather [hbm4b:s5+s16], $0x1000, s17, s16, $0x38;
	[tilespmem:$0x1EB80] =	vst v63  }
0x1b: {  	[spmem:s29], [sflag:s30] =	dma.local @!p0 [hbm:s1], $0x800  }
0x1c: {  	s29 =	simm.s32 @!p0 $0x5  }
0x1d: {  	_ =	swait.ge @!p0 [sflag:s29], $0x800  }
0x1e: {  	[sflag:s29] =	ssyncset.done @!p0 $0x0  }
0x1f: {  	[sflag:s29] =	ssyncadd.s32 @!p0 $0xFFFFF800  }
0x20: {  	[bflag:$0x0] =	sbarrier.arrive $0xFFFF  }
0x21: {  	[tilespmem:s3], [sflag:$0x1] =	stream.linear.gather [spmem:s2], $0x4000, $0x38;
	[tilespmem:$0x1EB80] =	vst v63  }
0x22: {  	_ =	swait.ge [sflag:s20], $0x4000  }
0x23: {  	[sflag:s20] =	ssyncset.done $0x0  }
0x24: {  	[sflag:s20] =	ssyncadd.s32 $0xFFFFC000  }
0x25: {  	_ =	swait.ge [sflag:s21], $0x18700  }
0x26: {  	[sflag:s21] =	ssyncset.done $0x0  }
0x27: {  	[sflag:s21] =	ssyncadd.s32 $0xFFFE7900  }
0x28: {  	[tilespmem:s22], [sflag:$0x4] =	stream.strided.gather [hbm4b:s6+s16], $0x1000, s17, s16, $0x38;
	[tilespmem:$0x1EB80] =	vst v63  }
0x29: {  	_ =	swait.ge [sflag:s23], $0x1000  }
0x2a: {  	[sflag:s23] =	ssyncset.done $0x0  }
0x2b: {  	s30 =	simm.s32 $0x0;
	[sflag:s23] =	ssyncadd.s32 $0xFFFFF000  }
0x2c: {  	v1 =	vld [tilespmem:s30+$0x0];
	_ =	sdelay $0x1  }
0x2d: {  	v2 =	vld [tilespmem:s30+$0x10]  }
0x2e: {  	v3 =	vld [tilespmem:s30+$0x20]  }
0x2f: {  	v4 =	vld [tilespmem:s30+$0x1C720]  }
0x30: {  	v5 =	vld [tilespmem:s30+$0x30]  }
0x31: {  	v6 =	vld [tilespmem:s30+$0x1C710]  }
0x32: {  	v7 =	vld [tilespmem:s30+$0x1C700]  }
0x33: {  	s29 =	simm.s32 $0x40;
	v1 =	vld.idx.msk [tilespmem:v1+s18+$0x0], $0xffff  }
0x34: {  	v8 =	vld [tilespmem:s29+$0x0]  }
0x35: {  	v2 =	vld.idx.msk [tilespmem:v2+s18+$0x0], $0xffff  }
0x36: {  	v9 =	vld [tilespmem:s29+$0x10]  }
0x37: {  	v3 =	vld.idx.msk [tilespmem:v3+s18+$0x0], $0xffff  }
0x38: {  	v10 =	vld.idx.msk [tilespmem:v5+s18+$0x0], $0xffff;
	v1 =	vsub.f32 v7, v1  }
0x39: {  	v7 =	vld [tilespmem:s30+$0x1C730]  }
0x3a: {  	v5 =	vld [tilespmem:s29+$0x20];
	v2 =	vsub.f32 v6, v2;
	v11 =	vmul.f32 v1, v1  }
0x3b: {  	v6 =	vld [tilespmem:s29+$0x30]  }
0x3c: {  	v4 =	vsub.f32 v4, v3;
	v3 =	vld.idx.msk [tilespmem:v8+s18+$0x0], $0xffff;
	v12 =	vmul.f32 v2, v2;
	v11 =	vadd.f32 v11, v0  }
0x3d: {  	v1 =	vld [tilespmem:s29+$0x1C720]  }
0x3e: {  	v2 =	vld [tilespmem:s29+$0x1C710];
	v10 =	vsub.f32 v7, v10;
	v8 =	vadd.f32 v12, v11;
	v11 =	vmul.f32 v4, v4  }
0x3f: {  	v7 =	vld [tilespmem:s29+$0x1C700]  }
0x40: {  	s31 =	simm.s32 $0x80;
	v4 =	vld.idx.msk [tilespmem:v9+s18+$0x0], $0xffff;
	v10 =	vmul.f32 v10, v10;
	v9 =	vadd.f32 v11, v8  }
0x41: {  	s30 =	simm.s32 $0x300;
	v8 =	vld [tilespmem:s31+$0x0]  }
.LBB2_2:
0x42: {  	p1 =	sne.s32 s30, $0x3F00;
	v11 =	vld.idx.msk [tilespmem:v5+s18+$0x0], $0xffff;
	v9 =	vadd.f32 v10, v9  }
0x43: {  	v10 =	vld [tilespmem:s31+$0x10]  }
0x44: {  	v3 =	vsub.f32 v7, v3;
	v7 =	vld.idx.msk [tilespmem:v6+s18+$0x0], $0xffff  }
0x45: {  	v12 =	vld [tilespmem:s29+$0x1C730];
	s29 =	smov.u32 s31  }
0x46: {  	v2 =	vsub.f32 v2, v4;
	v5 =	vld [tilespmem:s29+$0x20];
	v3 =	vmul.f32 v3, v3  }
0x47: {  	v13 =	vld [tilespmem:s29+$0x1C720]  }
0x48: {  	v1 =	vsub.f32 v1, v11;
	v6 =	vld [tilespmem:s29+$0x30];
	v4 =	vadd.f32 v3, v9;
	v9 =	vmul.f32 v2, v2  }
.Ltmp0:
0x49: {  	v2 =	vld [tilespmem:s29+$0x1C710];
	(pc) =	sbr.rel @p1 .LBB2_2-.Ltmp0, $4  }
0x4a: {  	v14 =	vmul.f32 v1, v1;
	v3 =	vld.idx.msk [tilespmem:v8+s18+$0x0], $0xffff;
	v8 =	vadd.f32 v9, v4;
	v11 =	vsub.f32 v12, v7  }
0x4b: {  	v7 =	vld [tilespmem:s29+$0x1C700]  }
0x4c: {  	s31 =	sshra.s32 s30, $0x2;
	v4 =	vld.idx.msk [tilespmem:v10+s18+$0x0], $0xffff;
	v9 =	vadd.f32 v14, v8;
	v10 =	vmul.f32 v11, v11;
	v1 =	vmov v13  }
0x4d: {  	s30 =	sadd.s32 $0x100, s30;
	v8 =	vld [tilespmem:s31+$0x0]  }
0x4e: {  	_ =	sdelay $0x3  }
0x4f: {  	v5 =	vld.idx.msk [tilespmem:v5+s18+$0x0], $0xffff  }
0x50: {  	v11 =	vld [tilespmem:s31+$0x10]  }
0x51: {  	v6 =	vld.idx.msk [tilespmem:v6+s18+$0x0], $0xffff  }
0x52: {  	v12 =	vld [tilespmem:s31+$0x20]  }
0x53: {  	v13 =	vld [tilespmem:s31+$0x30]  }
0x54: {  	v14 =	vld [tilespmem:s29+$0x1C730]  }
0x55: {  	v15 =	vld [tilespmem:s31+$0x1C720]  }
0x56: {  	v16 =	vld [tilespmem:s31+$0x1C710]  }
0x57: {  	v17 =	vld [tilespmem:s31+$0x1C700]  }
0x58: {  	v18 =	vld [tilespmem:s31+$0x1C730]  }
0x59: {  	v8 =	vld.idx.msk [tilespmem:v8+s18+$0x0], $0xffff  }
0x5a: {  	v11 =	vld.idx.msk [tilespmem:v11+s18+$0x0], $0xffff  }
0x5b: {  	v12 =	vld.idx.msk [tilespmem:v12+s18+$0x0], $0xffff  }
0x5c: {  	v3 =	vsub.f32 v7, v3;
	v13 =	vld.idx.msk [tilespmem:v13+s18+$0x0], $0xffff;
	[tilespmem:s19], [sflag:$0x3] =	stream.strided.gather [hbm4b:s7+s16], $0x1000, s17, s16, $0x38  }
0x5d: {  	_ =	swait.ge [sflag:s24], $0x1000  }
0x5e: {  	s29 =	simm.s32 $0x0;
	v9 =	vadd.f32 v10, v9;
	v2 =	vsub.f32 v2, v4;
	v3 =	vmul.f32 v3, v3;
	[sflag:s24] =	ssyncset.done $0x0  }
0x5f: {  	s29 =	sand.u32 $0xFC0, s29;
	[sflag:s24] =	ssyncadd.s32 $0xFFFFF000  }
0x60: {  	s30 =	simm.s32 $0x1D720;
	v2 =	vmul.f32 v2, v2;
	v1 =	vsub.f32 v1, v5;
	v3 =	vadd.f32 v3, v9;
	v7 =	vld [tilespmem:s29+$0x1000]  }
0x61: {  	s29 =	simm.s32 $0x1030;
	v9 =	vld [tilespmem:s30+$0x0]  }
0x62: {  	v1 =	vmul.f32 v1, v1;
	v2 =	vadd.f32 v2, v3;
	v3 =	vsub.f32 v14, v6;
	v4 =	vld [tilespmem:s29+$0xFFFFFFE0]  }
0x63: {  	v5 =	vld [tilespmem:s29+$0xFFFFFFF0]  }
0x64: {  	v1 =	vadd.f32 v1, v2;
	v2 =	vmul.f32 v3, v3;
	v3 =	vsub.f32 v17, v8;
	v8 =	vld [tilespmem:s30+$0xFFFFFFF0]  }
0x65: {  	v6 =	vld [tilespmem:s29+$0x0];
	s29 =	simm.s32 $0x40  }
0x66: {  	v10 =	vld [tilespmem:s30+$0xFFFFFFE0];
	s29 =	sand.u32 $0xFC0, s29  }
0x67: {  	v1 =	vadd.f32 v2, v1;
	v2 =	vmul.f32 v3, v3;
	v3 =	vsub.f32 v16, v11;
	v61 =	vld [tilespmem:s29+$0x1000]  }
0x68: {  	s29 =	simm.s32 $0x1070;
	v7 =	vld.idx.msk [tilespmem:v7+s18+$0x0], $0xffff  }
0x69: {  	v1 =	vadd.f32 v2, v1;
	v2 =	vmul.f32 v3, v3;
	v3 =	vsub.f32 v15, v12;
	v62 =	vld [tilespmem:s29+$0xFFFFFFE0]  }
0x6a: {  	v11 =	vld.idx.msk [tilespmem:v4+s18+$0x0], $0xffff  }
0x6b: {  	v1 =	vadd.f32 v2, v1;
	v2 =	vmul.f32 v3, v3;
	v3 =	vsub.f32 v18, v13;
	v5 =	vld.idx.msk [tilespmem:v5+s18+$0x0], $0xffff;
	_ =	sdelay $0x1  }
0x6c: {  	v1 =	vadd.f32 v2, v1;
	v2 =	vmul.f32 v3, v3;
	v63 =	vld.idx.msk [tilespmem:v6+s18+$0x0], $0xffff;
	v3 =	vsub.f32 v10, v7  }
0x6d: {  	v7 =	vld [tilespmem:s30+$0x10]  }
0x6e: {  	v4 =	vld [tilespmem:s29+$0xFFFFFFF0];
	v2 =	vadd.f32 v2, v1;
	v8 =	vsub.f32 v8, v11;
	v3 =	vmul.f32 v3, v3  }
0x6f: {  	v6 =	vld [tilespmem:s29+$0x0];
	s30 =	simm.s32 $0x1D760;
	v5 =	vsub.f32 v9, v5  }
0x70: {  	v1 =	vld [tilespmem:s30+$0x0];
	v8 =	vmul.f32 v8, v8;
	v10 =	vadd.f32 v3, v2  }
0x71: {  	v9 =	vmul.f32 v5, v5;
	v5 =	vld.idx.msk [tilespmem:v62+s18+$0x0], $0xffff  }
0x72: {  	v3 =	vld.idx.msk [tilespmem:v61+s18+$0x0], $0xffff;
	v8 =	vadd.f32 v8, v10;
	v10 =	vsub.f32 v7, v63  }
0x73: {  	s31 =	simm.s32 $0x80;
	v7 =	vld [tilespmem:s30+$0xFFFFFFE0]  }
0x74: {  	s31 =	sand.u32 $0xFC0, s31;
	v2 =	vld [tilespmem:s30+$0xFFFFFFF0];
	v9 =	vadd.f32 v9, v8;
	v10 =	vmul.f32 v10, v10  }
0x75: {  	v8 =	vld [tilespmem:s31+$0x1000];
	s31 =	simm.s32 $0xC0  }
.LBB2_4:
0x76: {  	p1 =	sne.s32 s31, $0xFC0;
	v11 =	vld.idx.msk [tilespmem:v4+s18+$0x0], $0xffff;
	s29 =	sadd.s32 $0x40, s29;
	v9 =	vadd.f32 v10, v9  }
0x77: {  	v10 =	vld [tilespmem:s29+$0xFFFFFFE0]  }
0x78: {  	v3 =	vsub.f32 v7, v3;
	v7 =	vld.idx.msk [tilespmem:v6+s18+$0x0], $0xffff  }
0x79: {  	v12 =	vld [tilespmem:s30+$0x10]  }
0x7a: {  	v2 =	vsub.f32 v2, v5;
	s30 =	sadd.s32 $0x40, s30;
	v4 =	vld [tilespmem:s29+$0xFFFFFFF0];
	v3 =	vmul.f32 v3, v3  }
0x7b: {  	v13 =	vld [tilespmem:s30+$0x0]  }
0x7c: {  	v1 =	vsub.f32 v1, v11;
	v6 =	vld [tilespmem:s29+$0x0];
	v5 =	vadd.f32 v3, v9;
	v9 =	vmul.f32 v2, v2  }
.Ltmp1:
0x7d: {  	v2 =	vld [tilespmem:s30+$0xFFFFFFF0];
	(pc) =	sbr.rel @p1 .LBB2_4-.Ltmp1, $4  }
0x7e: {  	v14 =	vmul.f32 v1, v1;
	v3 =	vld.idx.msk [tilespmem:v8+s18+$0x0], $0xffff;
	v8 =	vadd.f32 v9, v5;
	v11 =	vsub.f32 v12, v7  }
0x7f: {  	v7 =	vld [tilespmem:s30+$0xFFFFFFE0]  }
0x80: {  	s0 =	sand.u32 $0xFC0, s31;
	v5 =	vld.idx.msk [tilespmem:v10+s18+$0x0], $0xffff;
	v9 =	vadd.f32 v14, v8;
	v10 =	vmul.f32 v11, v11;
	v1 =	vmov v13  }
0x81: {  	s31 =	sadd.s32 $0x40, s31;
	v8 =	vld [tilespmem:s0+$0x1000]  }
0x82: {  	_ =	sdelay $0x3  }
0x83: {  	v4 =	vld.idx.msk [tilespmem:v4+s18+$0x0], $0xffff  }
0x84: {  	v6 =	vld.idx.msk [tilespmem:v6+s18+$0x0], $0xffff  }
0x85: {  	s0 =	sadd.s32 $0x40, s29;
	v14 =	vld [tilespmem:s30+$0x10]  }
0x86: {  	v11 =	vld [tilespmem:s0+$0xFFFFFFE0]  }
0x87: {  	v12 =	vld [tilespmem:s0+$0xFFFFFFF0]  }
0x88: {  	v13 =	vld [tilespmem:s0+$0x0];
	s0 =	sadd.s32 $0x40, s30  }
0x89: {  	v15 =	vld [tilespmem:s0+$0x0]  }
0x8a: {  	v16 =	vld [tilespmem:s0+$0xFFFFFFF0]  }
0x8b: {  	v17 =	vld [tilespmem:s0+$0xFFFFFFE0]  }
0x8c: {  	v18 =	vld [tilespmem:s0+$0x10]  }
0x8d: {  	v8 =	vld.idx.msk [tilespmem:v8+s18+$0x0], $0xffff  }
0x8e: {  	v11 =	vld.idx.msk [tilespmem:v11+s18+$0x0], $0xffff  }
0x8f: {  	v12 =	vld.idx.msk [tilespmem:v12+s18+$0x0], $0xffff  }
0x90: {  	v13 =	vld.idx.msk [tilespmem:v13+s18+$0x0], $0xffff;
	[tilespmem:s22], [sflag:$0x4] =	stream.strided.gather [hbm4b:s8+s16], $0x1000, s17, s16, $0x38  }
0x91: {  	v3 =	vsub.f32 v7, v3;
	_ =	swait.ge [sflag:s23], $0x1000  }
0x92: {  	s0 =	simm.s32 $0x0;
	[sflag:s23] =	ssyncset.done $0x0  }
0x93: {  	v9 =	vadd.f32 v10, v9;
	s0 =	sand.u32 $0xFC0, s0;
	v2 =	vsub.f32 v2, v5;
	v3 =	vmul.f32 v3, v3;
	[sflag:s23] =	ssyncadd.s32 $0xFFFFF000  }
0x94: {  	v7 =	vld [tilespmem:s0+$0x2000]  }
0x95: {  	v2 =	vmul.f32 v2, v2;
	v1 =	vsub.f32 v1, v4;
	v3 =	vadd.f32 v3, v9;
	s0 =	simm.s32 $0x2030  }
0x96: {  	s30 =	simm.s32 $0x1C720;
	v5 =	vld [tilespmem:s0+$0xFFFFFFE0]  }
0x97: {  	v1 =	vmul.f32 v1, v1;
	v2 =	vadd.f32 v2, v3;
	v3 =	vsub.f32 v14, v6;
	v9 =	vld [tilespmem:s30+$0x0]  }
0x98: {  	v4 =	vld [tilespmem:s0+$0xFFFFFFF0]  }
0x99: {  	v1 =	vadd.f32 v1, v2;
	v2 =	vmul.f32 v3, v3;
	v3 =	vsub.f32 v17, v8;
	v6 =	vld [tilespmem:s0+$0x0]  }
0x9a: {  	v8 =	vld [tilespmem:s30+$0xFFFFFFF0]  }
0x9b: {  	v1 =	vadd.f32 v2, v1;
	v2 =	vmul.f32 v3, v3;
	v10 =	vld [tilespmem:s30+$0xFFFFFFE0];
	v3 =	vsub.f32 v16, v11;
	s0 =	simm.s32 $0x40  }
0x9c: {  	s0 =	sand.u32 $0xFC0, s0;
	v7 =	vld.idx.msk [tilespmem:v7+s18+$0x0], $0xffff  }
0x9d: {  	v1 =	vadd.f32 v2, v1;
	v2 =	vmul.f32 v3, v3;
	v3 =	vsub.f32 v15, v12;
	v11 =	vld [tilespmem:s0+$0x2000]  }
0x9e: {  	s29 =	simm.s32 $0x2070;
	v5 =	vld.idx.msk [tilespmem:v5+s18+$0x0], $0xffff  }
0x9f: {  	v62 =	vld [tilespmem:s29+$0xFFFFFFE0];
	v1 =	vadd.f32 v2, v1;
	v2 =	vmul.f32 v3, v3;
	v3 =	vsub.f32 v18, v13  }
0xa0: {  	v4 =	vld.idx.msk [tilespmem:v4+s18+$0x0], $0xffff  }
0xa1: {  	v1 =	vadd.f32 v2, v1;
	v2 =	vmul.f32 v3, v3;
	v63 =	vld.idx.msk [tilespmem:v6+s18+$0x0], $0xffff;
	v6 =	vsub.f32 v10, v7  }
0xa2: {  	v7 =	vld [tilespmem:s30+$0x10]  }
0xa3: {  	v3 =	vld [tilespmem:s29+$0xFFFFFFF0];
	v2 =	vadd.f32 v2, v1;
	s30 =	simm.s32 $0x1C760;
	v5 =	vsub.f32 v8, v5;
	v10 =	vmul.f32 v6, v6  }
0xa4: {  	v1 =	vld [tilespmem:s30+$0x0]  }
0xa5: {  	v9 =	vsub.f32 v9, v4;
	v6 =	vld [tilespmem:s29+$0x0];
	v5 =	vmul.f32 v5, v5;
	v8 =	vadd.f32 v10, v2  }
0xa6: {  	v4 =	vld.idx.msk [tilespmem:v11+s18+$0x0], $0xffff  }
0xa7: {  	v9 =	vmul.f32 v9, v9;
	v2 =	vld [tilespmem:s30+$0xFFFFFFF0];
	v10 =	vsub.f32 v7, v63;
	v8 =	vadd.f32 v5, v8  }
0xa8: {  	s0 =	simm.s32 $0x80;
	v7 =	vld [tilespmem:s30+$0xFFFFFFE0]  }
0xa9: {  	s0 =	sand.u32 $0xFC0, s0;
	v5 =	vld.idx.msk [tilespmem:v62+s18+$0x0], $0xffff;
	v10 =	vmul.f32 v10, v10;
	v9 =	vadd.f32 v9, v8  }
0xaa: {  	s31 =	simm.s32 $0xC0;
	v8 =	vld [tilespmem:s0+$0x2000]  }
.LBB2_6:
0xab: {  	p1 =	sne.s32 s31, $0xFC0;
	v11 =	vld.idx.msk [tilespmem:v3+s18+$0x0], $0xffff;
	s29 =	sadd.s32 $0x40, s29;
	v9 =	vadd.f32 v10, v9  }
0xac: {  	v10 =	vld [tilespmem:s29+$0xFFFFFFE0]  }
0xad: {  	v4 =	vsub.f32 v7, v4;
	v7 =	vld.idx.msk [tilespmem:v6+s18+$0x0], $0xffff  }
0xae: {  	v12 =	vld [tilespmem:s30+$0x10]  }
0xaf: {  	v2 =	vsub.f32 v2, v5;
	s30 =	sadd.s32 $0x40, s30;
	v3 =	vld [tilespmem:s29+$0xFFFFFFF0];
	v4 =	vmul.f32 v4, v4  }
0xb0: {  	v13 =	vld [tilespmem:s30+$0x0]  }
0xb1: {  	v1 =	vsub.f32 v1, v11;
	v6 =	vld [tilespmem:s29+$0x0];
	v5 =	vadd.f32 v4, v9;
	v9 =	vmul.f32 v2, v2  }
.Ltmp2:
0xb2: {  	v2 =	vld [tilespmem:s30+$0xFFFFFFF0];
	(pc) =	sbr.rel @p1 .LBB2_6-.Ltmp2, $4  }
0xb3: {  	v14 =	vmul.f32 v1, v1;
	v4 =	vld.idx.msk [tilespmem:v8+s18+$0x0], $0xffff;
	v8 =	vadd.f32 v9, v5;
	v11 =	vsub.f32 v12, v7  }
0xb4: {  	v7 =	vld [tilespmem:s30+$0xFFFFFFE0]  }
0xb5: {  	s0 =	sand.u32 $0xFC0, s31;
	v5 =	vld.idx.msk [tilespmem:v10+s18+$0x0], $0xffff;
	v9 =	vadd.f32 v14, v8;
	v10 =	vmul.f32 v11, v11;
	v1 =	vmov v13  }
0xb6: {  	s31 =	sadd.s32 $0x40, s31;
	v8 =	vld [tilespmem:s0+$0x2000]  }
0xb7: {  	_ =	sdelay $0x3  }
0xb8: {  	v3 =	vld.idx.msk [tilespmem:v3+s18+$0x0], $0xffff  }
0xb9: {  	v6 =	vld.idx.msk [tilespmem:v6+s18+$0x0], $0xffff  }
0xba: {  	s0 =	sadd.s32 $0x40, s29;
	v14 =	vld [tilespmem:s30+$0x10]  }
0xbb: {  	v11 =	vld [tilespmem:s0+$0xFFFFFFE0]  }
0xbc: {  	v12 =	vld [tilespmem:s0+$0xFFFFFFF0]  }
0xbd: {  	v13 =	vld [tilespmem:s0+$0x0];
	s0 =	sadd.s32 $0x40, s30  }
0xbe: {  	v15 =	vld [tilespmem:s0+$0x0]  }
0xbf: {  	v16 =	vld [tilespmem:s0+$0xFFFFFFF0]  }
0xc0: {  	v17 =	vld [tilespmem:s0+$0xFFFFFFE0]  }
0xc1: {  	v18 =	vld [tilespmem:s0+$0x10]  }
0xc2: {  	v8 =	vld.idx.msk [tilespmem:v8+s18+$0x0], $0xffff  }
0xc3: {  	v11 =	vld.idx.msk [tilespmem:v11+s18+$0x0], $0xffff  }
0xc4: {  	v12 =	vld.idx.msk [tilespmem:v12+s18+$0x0], $0xffff  }
0xc5: {  	v4 =	vsub.f32 v7, v4;
	v13 =	vld.idx.msk [tilespmem:v13+s18+$0x0], $0xffff;
	_ =	swait.ge [sflag:s24], $0x1000  }
0xc6: {  	s0 =	simm.s32 $0x0;
	[sflag:s24] =	ssyncset.done $0x0  }
0xc7: {  	v9 =	vadd.f32 v10, v9;
	s0 =	sand.u32 $0xFC0, s0;
	v2 =	vsub.f32 v2, v5;
	v4 =	vmul.f32 v4, v4;
	[sflag:s24] =	ssyncadd.s32 $0xFFFFF000  }
0xc8: {  	v7 =	vld [tilespmem:s0+$0x3000]  }
0xc9: {  	v2 =	vmul.f32 v2, v2;
	v1 =	vsub.f32 v1, v3;
	v4 =	vadd.f32 v4, v9;
	s0 =	simm.s32 $0x3030  }
0xca: {  	s30 =	simm.s32 $0x1D720;
	v5 =	vld [tilespmem:s0+$0xFFFFFFE0]  }
0xcb: {  	v1 =	vmul.f32 v1, v1;
	v2 =	vadd.f32 v2, v4;
	v4 =	vsub.f32 v14, v6;
	v9 =	vld [tilespmem:s30+$0x0]  }
0xcc: {  	v3 =	vld [tilespmem:s0+$0xFFFFFFF0]  }
0xcd: {  	v1 =	vadd.f32 v1, v2;
	v2 =	vmul.f32 v4, v4;
	v4 =	vsub.f32 v17, v8;
	v6 =	vld [tilespmem:s0+$0x0]  }
0xce: {  	v8 =	vld [tilespmem:s30+$0xFFFFFFF0]  }
0xcf: {  	v1 =	vadd.f32 v2, v1;
	v2 =	vmul.f32 v4, v4;
	v10 =	vld [tilespmem:s30+$0xFFFFFFE0];
	s0 =	simm.s32 $0x40;
	v4 =	vsub.f32 v16, v11  }
0xd0: {  	s0 =	sand.u32 $0xFC0, s0;
	v7 =	vld.idx.msk [tilespmem:v7+s18+$0x0], $0xffff  }
0xd1: {  	v1 =	vadd.f32 v2, v1;
	v61 =	vld [tilespmem:s0+$0x3000];
	v2 =	vmul.f32 v4, v4;
	v4 =	vsub.f32 v15, v12  }
0xd2: {  	s29 =	simm.s32 $0x3070;
	v11 =	vld.idx.msk [tilespmem:v5+s18+$0x0], $0xffff  }
0xd3: {  	v62 =	vld [tilespmem:s29+$0xFFFFFFE0];
	v1 =	vadd.f32 v2, v1;
	v2 =	vmul.f32 v4, v4;
	v4 =	vsub.f32 v18, v13  }
0xd4: {  	v3 =	vld.idx.msk [tilespmem:v3+s18+$0x0], $0xffff  }
0xd5: {  	v1 =	vadd.f32 v2, v1;
	v2 =	vmul.f32 v4, v4;
	v63 =	vld.idx.msk [tilespmem:v6+s18+$0x0], $0xffff;
	v4 =	vsub.f32 v10, v7  }
0xd6: {  	v7 =	vld [tilespmem:s30+$0x10]  }
0xd7: {  	v5 =	vld [tilespmem:s29+$0xFFFFFFF0];
	v2 =	vadd.f32 v2, v1;
	v8 =	vsub.f32 v8, v11;
	v4 =	vmul.f32 v4, v4  }
0xd8: {  	v6 =	vld [tilespmem:s29+$0x0];
	s30 =	simm.s32 $0x1D760  }
0xd9: {  	v1 =	vld [tilespmem:s30+$0x0];
	v9 =	vsub.f32 v9, v3;
	v8 =	vmul.f32 v8, v8;
	v4 =	vadd.f32 v4, v2  }
0xda: {  	v3 =	vld.idx.msk [tilespmem:v61+s18+$0x0], $0xffff  }
0xdb: {  	v9 =	vmul.f32 v9, v9;
	v2 =	vld [tilespmem:s30+$0xFFFFFFF0];
	v10 =	vsub.f32 v7, v63;
	v8 =	vadd.f32 v8, v4  }
0xdc: {  	s0 =	simm.s32 $0x80;
	v7 =	vld [tilespmem:s30+$0xFFFFFFE0]  }
0xdd: {  	s0 =	sand.u32 $0xFC0, s0;
	v4 =	vld.idx.msk [tilespmem:v62+s18+$0x0], $0xffff;
	v10 =	vmul.f32 v10, v10;
	v8 =	vadd.f32 v9, v8  }
0xde: {  	s31 =	simm.s32 $0xC0;
	v9 =	vld [tilespmem:s0+$0x3000]  }
.LBB2_8:
0xdf: {  	p1 =	sne.s32 s31, $0xFC0;
	v11 =	vld.idx.msk [tilespmem:v5+s18+$0x0], $0xffff;
	s29 =	sadd.s32 $0x40, s29;
	v8 =	vadd.f32 v10, v8  }
0xe0: {  	v10 =	vld [tilespmem:s29+$0xFFFFFFE0]  }
0xe1: {  	v3 =	vsub.f32 v7, v3;
	v7 =	vld.idx.msk [tilespmem:v6+s18+$0x0], $0xffff  }
0xe2: {  	v12 =	vld [tilespmem:s30+$0x10]  }
0xe3: {  	v2 =	vsub.f32 v2, v4;
	s30 =	sadd.s32 $0x40, s30;
	v5 =	vld [tilespmem:s29+$0xFFFFFFF0];
	v3 =	vmul.f32 v3, v3  }
0xe4: {  	v13 =	vld [tilespmem:s30+$0x0]  }
0xe5: {  	v1 =	vsub.f32 v1, v11;
	v6 =	vld [tilespmem:s29+$0x0];
	v4 =	vadd.f32 v3, v8;
	v8 =	vmul.f32 v2, v2  }
.Ltmp3:
0xe6: {  	v2 =	vld [tilespmem:s30+$0xFFFFFFF0];
	(pc) =	sbr.rel @p1 .LBB2_8-.Ltmp3, $4  }
0xe7: {  	v11 =	vmul.f32 v1, v1;
	v3 =	vld.idx.msk [tilespmem:v9+s18+$0x0], $0xffff;
	v8 =	vadd.f32 v8, v4;
	v9 =	vsub.f32 v12, v7  }
0xe8: {  	v7 =	vld [tilespmem:s30+$0xFFFFFFE0]  }
0xe9: {  	s0 =	sand.u32 $0xFC0, s31;
	v4 =	vld.idx.msk [tilespmem:v10+s18+$0x0], $0xffff;
	v8 =	vadd.f32 v11, v8;
	v10 =	vmul.f32 v9, v9;
	v1 =	vmov v13  }
0xea: {  	s31 =	sadd.s32 $0x40, s31;
	v9 =	vld [tilespmem:s0+$0x3000]  }
0xeb: {  	_ =	sdelay $0x3  }
0xec: {  	v5 =	vld.idx.msk [tilespmem:v5+s18+$0x0], $0xffff  }
0xed: {  	v6 =	vld.idx.msk [tilespmem:v6+s18+$0x0], $0xffff  }
0xee: {  	s0 =	sadd.s32 $0x40, s29;
	v14 =	vld [tilespmem:s30+$0x10]  }
0xef: {  	v11 =	vld [tilespmem:s0+$0xFFFFFFE0]  }
0xf0: {  	v12 =	vld [tilespmem:s0+$0xFFFFFFF0]  }
0xf1: {  	v13 =	vld [tilespmem:s0+$0x0];
	s0 =	sadd.s32 $0x40, s30  }
0xf2: {  	v15 =	vld [tilespmem:s0+$0x0]  }
0xf3: {  	v16 =	vld [tilespmem:s0+$0xFFFFFFF0]  }
0xf4: {  	v17 =	vld [tilespmem:s0+$0xFFFFFFE0]  }
0xf5: {  	v18 =	vld [tilespmem:s0+$0x10]  }
0xf6: {  	v9 =	vld.idx.msk [tilespmem:v9+s18+$0x0], $0xffff  }
0xf7: {  	v11 =	vld.idx.msk [tilespmem:v11+s18+$0x0], $0xffff  }
0xf8: {  	v12 =	vld.idx.msk [tilespmem:v12+s18+$0x0], $0xffff  }
0xf9: {  	v13 =	vld.idx.msk [tilespmem:v13+s18+$0x0], $0xffff;
	[tilespmem:s18], [sflag:$0x2] =	stream.strided.gather [hbm4b:s9+s16], $0x18700, s17, s16, $0x38  }
0xfa: {  	_ = 	snop  }
0xfb: {  	[tilespmem:s19], [sflag:$0x3] =	stream.strided.gather [hbm4b:s10+s16], $0x1000, s17, s16, $0x38;
	[tilespmem:$0x1EB80] =	vst v63  }
0xfc: {  	_ =	swait.ge [sflag:s21], $0x18700  }
0xfd: {  	[sflag:s21] =	ssyncset.done $0x0  }
0xfe: {  	[sflag:s21] =	ssyncadd.s32 $0xFFFE7900  }
0xff: {  	[tilespmem:s22], [sflag:$0x4] =	stream.strided.gather [hbm4b:s11+s16], $0x1000, s17, s16, $0x38;
	[tilespmem:$0x1EB80] =	vst v63  }
0x100: {  	v3 =	vsub.f32 v7, v3;
	_ =	swait.ge [sflag:s23], $0x1000  }
0x101: {  	[sflag:s23] =	ssyncset.done $0x0  }
0x102: {  	v8 =	vadd.f32 v10, v8;
	s0 =	simm.s32 $0x0;
	v2 =	vsub.f32 v2, v4;
	v3 =	vmul.f32 v3, v3;
	[sflag:s23] =	ssyncadd.s32 $0xFFFFF000  }
0x103: {  	v7 =	vld [tilespmem:s0+$0x0]  }
0x104: {  	v2 =	vmul.f32 v2, v2;
	v1 =	vsub.f32 v1, v5;
	v3 =	vadd.f32 v3, v8  }
0x105: {  	v4 =	vld [tilespmem:s0+$0x10]  }
0x106: {  	v1 =	vmul.f32 v1, v1;
	v2 =	vadd.f32 v2, v3;
	v3 =	vsub.f32 v14, v6;
	v5 =	vld [tilespmem:s0+$0x20]  }
0x107: {  	v8 =	vld [tilespmem:s0+$0x1C720]  }
0x108: {  	v1 =	vadd.f32 v1, v2;
	v2 =	vmul.f32 v3, v3;
	v3 =	vsub.f32 v17, v9;
	v6 =	vld [tilespmem:s0+$0x30]  }
0x109: {  	v9 =	vld [tilespmem:s0+$0x1C710]  }
0x10a: {  	v1 =	vadd.f32 v2, v1;
	v2 =	vmul.f32 v3, v3;
	v3 =	vsub.f32 v16, v11;
	v10 =	vld [tilespmem:s0+$0x1C700]  }
0x10b: {  	s29 =	simm.s32 $0x40;
	v7 =	vld.idx.msk [tilespmem:v7+s18+$0x0], $0xffff  }
0x10c: {  	v1 =	vadd.f32 v2, v1;
	v2 =	vmul.f32 v3, v3;
	v3 =	vsub.f32 v15, v12;
	v11 =	vld [tilespmem:s29+$0x0]  }
0x10d: {  	v4 =	vld.idx.msk [tilespmem:v4+s18+$0x0], $0xffff  }
0x10e: {  	v1 =	vadd.f32 v2, v1;
	v2 =	vmul.f32 v3, v3;
	v3 =	vsub.f32 v18, v13;
	v62 =	vld [tilespmem:s29+$0x10]  }
0x10f: {  	v5 =	vld.idx.msk [tilespmem:v5+s18+$0x0], $0xffff  }
0x110: {  	v1 =	vadd.f32 v2, v1;
	v2 =	vmul.f32 v3, v3;
	v63 =	vld.idx.msk [tilespmem:v6+s18+$0x0], $0xffff;
	v6 =	vsub.f32 v10, v7  }
0x111: {  	v7 =	vld [tilespmem:s0+$0x1C730]  }
0x112: {  	v3 =	vld [tilespmem:s29+$0x20];
	v2 =	vadd.f32 v2, v1;
	v4 =	vsub.f32 v9, v4;
	v10 =	vmul.f32 v6, v6  }
0x113: {  	v1 =	vld [tilespmem:s29+$0x1C720]  }
0x114: {  	v5 =	vsub.f32 v8, v5;
	v6 =	vld [tilespmem:s29+$0x30];
	v9 =	vadd.f32 v10, v2;
	v10 =	vmul.f32 v4, v4  }
0x115: {  	v2 =	vld [tilespmem:s29+$0x1C710]  }
0x116: {  	v4 =	vld.idx.msk [tilespmem:v11+s18+$0x0], $0xffff;
	v8 =	vadd.f32 v10, v9;
	v9 =	vmul.f32 v5, v5;
	v10 =	vsub.f32 v7, v63  }
0x117: {  	v7 =	vld [tilespmem:s29+$0x1C700]  }
0x118: {  	s31 =	simm.s32 $0x80;
	v5 =	vld.idx.msk [tilespmem:v62+s18+$0x0], $0xffff;
	v9 =	vadd.f32 v9, v8;
	v10 =	vmul.f32 v10, v10  }
0x119: {  	s30 =	simm.s32 $0x300;
	v8 =	vld [tilespmem:s31+$0x0]  }
.LBB2_10:
0x11a: {  	p1 =	sne.s32 s30, $0x3F00;
	v11 =	vld.idx.msk [tilespmem:v3+s18+$0x0], $0xffff;
	v9 =	vadd.f32 v10, v9  }
0x11b: {  	v10 =	vld [tilespmem:s31+$0x10]  }
0x11c: {  	v4 =	vsub.f32 v7, v4;
	v7 =	vld.idx.msk [tilespmem:v6+s18+$0x0], $0xffff  }
0x11d: {  	v12 =	vld [tilespmem:s29+$0x1C730];
	s29 =	smov.u32 s31  }
0x11e: {  	v2 =	vsub.f32 v2, v5;
	v3 =	vld [tilespmem:s29+$0x20];
	v4 =	vmul.f32 v4, v4  }
0x11f: {  	v13 =	vld [tilespmem:s29+$0x1C720]  }
0x120: {  	v1 =	vsub.f32 v1, v11;
	v6 =	vld [tilespmem:s29+$0x30];
	v5 =	vadd.f32 v4, v9;
	v9 =	vmul.f32 v2, v2  }
.Ltmp4:
0x121: {  	v2 =	vld [tilespmem:s29+$0x1C710];
	(pc) =	sbr.rel @p1 .LBB2_10-.Ltmp4, $4  }
0x122: {  	v14 =	vmul.f32 v1, v1;
	v4 =	vld.idx.msk [tilespmem:v8+s18+$0x0], $0xffff;
	v8 =	vadd.f32 v9, v5;
	v11 =	vsub.f32 v12, v7  }
0x123: {  	v7 =	vld [tilespmem:s29+$0x1C700]  }
0x124: {  	s31 =	sshra.s32 s30, $0x2;
	v5 =	vld.idx.msk [tilespmem:v10+s18+$0x0], $0xffff;
	v9 =	vadd.f32 v14, v8;
	v10 =	vmul.f32 v11, v11;
	v1 =	vmov v13  }
0x125: {  	s30 =	sadd.s32 $0x100, s30;
	v8 =	vld [tilespmem:s31+$0x0]  }
0x126: {  	_ =	sdelay $0x3  }
0x127: {  	v3 =	vld.idx.msk [tilespmem:v3+s18+$0x0], $0xffff  }
0x128: {  	v11 =	vld [tilespmem:s31+$0x10]  }
0x129: {  	v6 =	vld.idx.msk [tilespmem:v6+s18+$0x0], $0xffff  }
0x12a: {  	v12 =	vld [tilespmem:s31+$0x20]  }
0x12b: {  	v13 =	vld [tilespmem:s31+$0x30]  }
0x12c: {  	v14 =	vld [tilespmem:s29+$0x1C730]  }
0x12d: {  	v15 =	vld [tilespmem:s31+$0x1C720]  }
0x12e: {  	v16 =	vld [tilespmem:s31+$0x1C710]  }
0x12f: {  	v17 =	vld [tilespmem:s31+$0x1C700]  }
0x130: {  	v18 =	vld [tilespmem:s31+$0x1C730]  }
0x131: {  	v8 =	vld.idx.msk [tilespmem:v8+s18+$0x0], $0xffff  }
0x132: {  	v11 =	vld.idx.msk [tilespmem:v11+s18+$0x0], $0xffff  }
0x133: {  	v12 =	vld.idx.msk [tilespmem:v12+s18+$0x0], $0xffff  }
0x134: {  	v13 =	vld.idx.msk [tilespmem:v13+s18+$0x0], $0xffff;
	[tilespmem:s19], [sflag:$0x3] =	stream.strided.gather [hbm4b:s12+s16], $0x1000, s17, s16, $0x38  }
0x135: {  	v4 =	vsub.f32 v7, v4;
	_ =	swait.ge [sflag:s24], $0x1000  }
0x136: {  	s0 =	simm.s32 $0x0;
	[sflag:s24] =	ssyncset.done $0x0  }
0x137: {  	v9 =	vadd.f32 v10, v9;
	s0 =	sand.u32 $0xFC0, s0;
	v2 =	vsub.f32 v2, v5;
	v4 =	vmul.f32 v4, v4;
	[sflag:s24] =	ssyncadd.s32 $0xFFFFF000  }
0x138: {  	v7 =	vld [tilespmem:s0+$0x1000]  }
0x139: {  	v2 =	vmul.f32 v2, v2;
	v1 =	vsub.f32 v1, v3;
	v4 =	vadd.f32 v4, v9;
	s0 =	simm.s32 $0x1030  }
0x13a: {  	s30 =	simm.s32 $0x1D720;
	v5 =	vld [tilespmem:s0+$0xFFFFFFE0]  }
0x13b: {  	v1 =	vmul.f32 v1, v1;
	v2 =	vadd.f32 v2, v4;
	v4 =	vsub.f32 v14, v6;
	v9 =	vld [tilespmem:s30+$0x0]  }
0x13c: {  	v3 =	vld [tilespmem:s0+$0xFFFFFFF0]  }
0x13d: {  	v1 =	vadd.f32 v1, v2;
	v2 =	vmul.f32 v4, v4;
	v4 =	vsub.f32 v17, v8;
	v6 =	vld [tilespmem:s0+$0x0]  }
0x13e: {  	v8 =	vld [tilespmem:s30+$0xFFFFFFF0]  }
0x13f: {  	v1 =	vadd.f32 v2, v1;
	v2 =	vmul.f32 v4, v4;
	v10 =	vld [tilespmem:s30+$0xFFFFFFE0];
	v4 =	vsub.f32 v16, v11;
	s0 =	simm.s32 $0x40  }
0x140: {  	s0 =	sand.u32 $0xFC0, s0;
	v7 =	vld.idx.msk [tilespmem:v7+s18+$0x0], $0xffff  }
0x141: {  	v1 =	vadd.f32 v2, v1;
	v2 =	vmul.f32 v4, v4;
	v4 =	vsub.f32 v15, v12;
	v11 =	vld [tilespmem:s0+$0x1000]  }
0x142: {  	s29 =	simm.s32 $0x1070;
	v5 =	vld.idx.msk [tilespmem:v5+s18+$0x0], $0xffff  }
0x143: {  	v62 =	vld [tilespmem:s29+$0xFFFFFFE0];
	v1 =	vadd.f32 v2, v1;
	v2 =	vmul.f32 v4, v4;
	v4 =	vsub.f32 v18, v13  }
0x144: {  	v3 =	vld.idx.msk [tilespmem:v3+s18+$0x0], $0xffff  }
0x145: {  	v1 =	vadd.f32 v2, v1;
	v2 =	vmul.f32 v4, v4;
	v63 =	vld.idx.msk [tilespmem:v6+s18+$0x0], $0xffff;
	v6 =	vsub.f32 v10, v7  }
0x146: {  	v7 =	vld [tilespmem:s30+$0x10]  }
0x147: {  	v4 =	vld [tilespmem:s29+$0xFFFFFFF0];
	v2 =	vadd.f32 v2, v1;
	s30 =	simm.s32 $0x1D760;
	v5 =	vsub.f32 v8, v5;
	v10 =	vmul.f32 v6, v6  }
0x148: {  	v1 =	vld [tilespmem:s30+$0x0]  }
0x149: {  	v9 =	vsub.f32 v9, v3;
	v6 =	vld [tilespmem:s29+$0x0];
	v5 =	vmul.f32 v5, v5;
	v8 =	vadd.f32 v10, v2  }
0x14a: {  	v3 =	vld.idx.msk [tilespmem:v11+s18+$0x0], $0xffff  }
0x14b: {  	v9 =	vmul.f32 v9, v9;
	v2 =	vld [tilespmem:s30+$0xFFFFFFF0];
	v10 =	vsub.f32 v7, v63;
	v8 =	vadd.f32 v5, v8  }
0x14c: {  	s0 =	simm.s32 $0x80;
	v7 =	vld [tilespmem:s30+$0xFFFFFFE0]  }
0x14d: {  	s0 =	sand.u32 $0xFC0, s0;
	v5 =	vld.idx.msk [tilespmem:v62+s18+$0x0], $0xffff;
	v10 =	vmul.f32 v10, v10;
	v9 =	vadd.f32 v9, v8  }
0x14e: {  	s31 =	simm.s32 $0xC0;
	v8 =	vld [tilespmem:s0+$0x1000]  }
.LBB2_12:
0x14f: {  	p1 =	sne.s32 s31, $0xFC0;
	v11 =	vld.idx.msk [tilespmem:v4+s18+$0x0], $0xffff;
	s29 =	sadd.s32 $0x40, s29;
	v9 =	vadd.f32 v10, v9  }
0x150: {  	v10 =	vld [tilespmem:s29+$0xFFFFFFE0]  }
0x151: {  	v3 =	vsub.f32 v7, v3;
	v7 =	vld.idx.msk [tilespmem:v6+s18+$0x0], $0xffff  }
0x152: {  	v12 =	vld [tilespmem:s30+$0x10]  }
0x153: {  	v2 =	vsub.f32 v2, v5;
	s30 =	sadd.s32 $0x40, s30;
	v4 =	vld [tilespmem:s29+$0xFFFFFFF0];
	v3 =	vmul.f32 v3, v3  }
0x154: {  	v13 =	vld [tilespmem:s30+$0x0]  }
0x155: {  	v1 =	vsub.f32 v1, v11;
	v6 =	vld [tilespmem:s29+$0x0];
	v5 =	vadd.f32 v3, v9;
	v9 =	vmul.f32 v2, v2  }
.Ltmp5:
0x156: {  	v2 =	vld [tilespmem:s30+$0xFFFFFFF0];
	(pc) =	sbr.rel @p1 .LBB2_12-.Ltmp5, $4  }
0x157: {  	v14 =	vmul.f32 v1, v1;
	v3 =	vld.idx.msk [tilespmem:v8+s18+$0x0], $0xffff;
	v8 =	vadd.f32 v9, v5;
	v11 =	vsub.f32 v12, v7  }
0x158: {  	v7 =	vld [tilespmem:s30+$0xFFFFFFE0]  }
0x159: {  	s0 =	sand.u32 $0xFC0, s31;
	v5 =	vld.idx.msk [tilespmem:v10+s18+$0x0], $0xffff;
	v9 =	vadd.f32 v14, v8;
	v10 =	vmul.f32 v11, v11;
	v1 =	vmov v13  }
0x15a: {  	s31 =	sadd.s32 $0x40, s31;
	v8 =	vld [tilespmem:s0+$0x1000]  }
0x15b: {  	_ =	sdelay $0x3  }
0x15c: {  	v4 =	vld.idx.msk [tilespmem:v4+s18+$0x0], $0xffff  }
0x15d: {  	v6 =	vld.idx.msk [tilespmem:v6+s18+$0x0], $0xffff  }
0x15e: {  	s0 =	sadd.s32 $0x40, s29;
	v14 =	vld [tilespmem:s30+$0x10]  }
0x15f: {  	v11 =	vld [tilespmem:s0+$0xFFFFFFE0]  }
0x160: {  	v12 =	vld [tilespmem:s0+$0xFFFFFFF0]  }
0x161: {  	v13 =	vld [tilespmem:s0+$0x0];
	s0 =	sadd.s32 $0x40, s30  }
0x162: {  	v15 =	vld [tilespmem:s0+$0x0]  }
0x163: {  	v16 =	vld [tilespmem:s0+$0xFFFFFFF0]  }
0x164: {  	v17 =	vld [tilespmem:s0+$0xFFFFFFE0]  }
0x165: {  	v18 =	vld [tilespmem:s0+$0x10]  }
0x166: {  	v8 =	vld.idx.msk [tilespmem:v8+s18+$0x0], $0xffff  }
0x167: {  	v11 =	vld.idx.msk [tilespmem:v11+s18+$0x0], $0xffff  }
0x168: {  	v12 =	vld.idx.msk [tilespmem:v12+s18+$0x0], $0xffff  }
0x169: {  	v13 =	vld.idx.msk [tilespmem:v13+s18+$0x0], $0xffff;
	[tilespmem:s22], [sflag:$0x4] =	stream.strided.gather [hbm4b:s13+s16], $0x1000, s17, s16, $0x38  }
0x16a: {  	v3 =	vsub.f32 v7, v3;
	_ =	swait.ge [sflag:s23], $0x1000  }
0x16b: {  	s0 =	simm.s32 $0x0;
	[sflag:s23] =	ssyncset.done $0x0  }
0x16c: {  	v9 =	vadd.f32 v10, v9;
	s0 =	sand.u32 $0xFC0, s0;
	v2 =	vsub.f32 v2, v5;
	v3 =	vmul.f32 v3, v3;
	[sflag:s23] =	ssyncadd.s32 $0xFFFFF000  }
0x16d: {  	v7 =	vld [tilespmem:s0+$0x2000]  }
0x16e: {  	v2 =	vmul.f32 v2, v2;
	v1 =	vsub.f32 v1, v4;
	v3 =	vadd.f32 v3, v9;
	s0 =	simm.s32 $0x2030  }
0x16f: {  	s30 =	simm.s32 $0x1C720;
	v5 =	vld [tilespmem:s0+$0xFFFFFFE0]  }
0x170: {  	v1 =	vmul.f32 v1, v1;
	v2 =	vadd.f32 v2, v3;
	v3 =	vsub.f32 v14, v6;
	v9 =	vld [tilespmem:s30+$0x0]  }
0x171: {  	v4 =	vld [tilespmem:s0+$0xFFFFFFF0]  }
0x172: {  	v1 =	vadd.f32 v1, v2;
	v2 =	vmul.f32 v3, v3;
	v3 =	vsub.f32 v17, v8;
	v6 =	vld [tilespmem:s0+$0x0]  }
0x173: {  	v8 =	vld [tilespmem:s30+$0xFFFFFFF0]  }
0x174: {  	v1 =	vadd.f32 v2, v1;
	v2 =	vmul.f32 v3, v3;
	v10 =	vld [tilespmem:s30+$0xFFFFFFE0];
	v3 =	vsub.f32 v16, v11;
	s0 =	simm.s32 $0x40  }
0x175: {  	s0 =	sand.u32 $0xFC0, s0;
	v7 =	vld.idx.msk [tilespmem:v7+s18+$0x0], $0xffff  }
0x176: {  	v1 =	vadd.f32 v2, v1;
	v2 =	vmul.f32 v3, v3;
	v3 =	vsub.f32 v15, v12;
	v11 =	vld [tilespmem:s0+$0x2000]  }
0x177: {  	s29 =	simm.s32 $0x2070;
	v5 =	vld.idx.msk [tilespmem:v5+s18+$0x0], $0xffff  }
0x178: {  	v62 =	vld [tilespmem:s29+$0xFFFFFFE0];
	v1 =	vadd.f32 v2, v1;
	v2 =	vmul.f32 v3, v3;
	v3 =	vsub.f32 v18, v13  }
0x179: {  	v4 =	vld.idx.msk [tilespmem:v4+s18+$0x0], $0xffff  }
0x17a: {  	v1 =	vadd.f32 v2, v1;
	v2 =	vmul.f32 v3, v3;
	v63 =	vld.idx.msk [tilespmem:v6+s18+$0x0], $0xffff;
	v6 =	vsub.f32 v10, v7  }
0x17b: {  	v7 =	vld [tilespmem:s30+$0x10]  }
0x17c: {  	v3 =	vld [tilespmem:s29+$0xFFFFFFF0];
	v2 =	vadd.f32 v2, v1;
	s30 =	simm.s32 $0x1C760;
	v5 =	vsub.f32 v8, v5;
	v10 =	vmul.f32 v6, v6  }
0x17d: {  	v1 =	vld [tilespmem:s30+$0x0]  }
0x17e: {  	v9 =	vsub.f32 v9, v4;
	v6 =	vld [tilespmem:s29+$0x0];
	v5 =	vmul.f32 v5, v5;
	v8 =	vadd.f32 v10, v2  }
0x17f: {  	v4 =	vld.idx.msk [tilespmem:v11+s18+$0x0], $0xffff  }
0x180: {  	v9 =	vmul.f32 v9, v9;
	v2 =	vld [tilespmem:s30+$0xFFFFFFF0];
	v10 =	vsub.f32 v7, v63;
	v8 =	vadd.f32 v5, v8  }
0x181: {  	s0 =	simm.s32 $0x80;
	v7 =	vld [tilespmem:s30+$0xFFFFFFE0]  }
0x182: {  	s0 =	sand.u32 $0xFC0, s0;
	v5 =	vld.idx.msk [tilespmem:v62+s18+$0x0], $0xffff;
	v10 =	vmul.f32 v10, v10;
	v9 =	vadd.f32 v9, v8  }
0x183: {  	s31 =	simm.s32 $0xC0;
	v8 =	vld [tilespmem:s0+$0x2000]  }
.LBB2_14:
0x184: {  	p1 =	sne.s32 s31, $0xFC0;
	v11 =	vld.idx.msk [tilespmem:v3+s18+$0x0], $0xffff;
	s29 =	sadd.s32 $0x40, s29;
	v9 =	vadd.f32 v10, v9  }
0x185: {  	v10 =	vld [tilespmem:s29+$0xFFFFFFE0]  }
0x186: {  	v4 =	vsub.f32 v7, v4;
	v7 =	vld.idx.msk [tilespmem:v6+s18+$0x0], $0xffff  }
0x187: {  	v12 =	vld [tilespmem:s30+$0x10]  }
0x188: {  	v2 =	vsub.f32 v2, v5;
	s30 =	sadd.s32 $0x40, s30;
	v3 =	vld [tilespmem:s29+$0xFFFFFFF0];
	v4 =	vmul.f32 v4, v4  }
0x189: {  	v13 =	vld [tilespmem:s30+$0x0]  }
0x18a: {  	v1 =	vsub.f32 v1, v11;
	v6 =	vld [tilespmem:s29+$0x0];
	v5 =	vadd.f32 v4, v9;
	v9 =	vmul.f32 v2, v2  }
.Ltmp6:
0x18b: {  	v2 =	vld [tilespmem:s30+$0xFFFFFFF0];
	(pc) =	sbr.rel @p1 .LBB2_14-.Ltmp6, $4  }
0x18c: {  	v14 =	vmul.f32 v1, v1;
	v4 =	vld.idx.msk [tilespmem:v8+s18+$0x0], $0xffff;
	v8 =	vadd.f32 v9, v5;
	v11 =	vsub.f32 v12, v7  }
0x18d: {  	v7 =	vld [tilespmem:s30+$0xFFFFFFE0]  }
0x18e: {  	s0 =	sand.u32 $0xFC0, s31;
	v5 =	vld.idx.msk [tilespmem:v10+s18+$0x0], $0xffff;
	v9 =	vadd.f32 v14, v8;
	v10 =	vmul.f32 v11, v11;
	v1 =	vmov v13  }
0x18f: {  	s31 =	sadd.s32 $0x40, s31;
	v8 =	vld [tilespmem:s0+$0x2000]  }
0x190: {  	_ =	sdelay $0x3  }
0x191: {  	v3 =	vld.idx.msk [tilespmem:v3+s18+$0x0], $0xffff  }
0x192: {  	v6 =	vld.idx.msk [tilespmem:v6+s18+$0x0], $0xffff  }
0x193: {  	s0 =	sadd.s32 $0x40, s29;
	v14 =	vld [tilespmem:s30+$0x10]  }
0x194: {  	v11 =	vld [tilespmem:s0+$0xFFFFFFE0]  }
0x195: {  	v12 =	vld [tilespmem:s0+$0xFFFFFFF0]  }
0x196: {  	v13 =	vld [tilespmem:s0+$0x0];
	s0 =	sadd.s32 $0x40, s30  }
0x197: {  	v15 =	vld [tilespmem:s0+$0x0]  }
0x198: {  	v16 =	vld [tilespmem:s0+$0xFFFFFFF0]  }
0x199: {  	v17 =	vld [tilespmem:s0+$0xFFFFFFE0]  }
0x19a: {  	v18 =	vld [tilespmem:s0+$0x10]  }
0x19b: {  	v8 =	vld.idx.msk [tilespmem:v8+s18+$0x0], $0xffff  }
0x19c: {  	v11 =	vld.idx.msk [tilespmem:v11+s18+$0x0], $0xffff  }
0x19d: {  	v12 =	vld.idx.msk [tilespmem:v12+s18+$0x0], $0xffff  }
0x19e: {  	v4 =	vsub.f32 v7, v4;
	v13 =	vld.idx.msk [tilespmem:v13+s18+$0x0], $0xffff;
	_ =	swait.ge [sflag:s24], $0x1000  }
0x19f: {  	s0 =	simm.s32 $0x0;
	[sflag:s24] =	ssyncset.done $0x0  }
0x1a0: {  	v9 =	vadd.f32 v10, v9;
	s0 =	sand.u32 $0xFC0, s0;
	v2 =	vsub.f32 v2, v5;
	v4 =	vmul.f32 v4, v4;
	[sflag:s24] =	ssyncadd.s32 $0xFFFFF000  }
0x1a1: {  	v7 =	vld [tilespmem:s0+$0x3000]  }
0x1a2: {  	v2 =	vmul.f32 v2, v2;
	v1 =	vsub.f32 v1, v3;
	v4 =	vadd.f32 v4, v9;
	s0 =	simm.s32 $0x3030  }
0x1a3: {  	v5 =	vld [tilespmem:s0+$0xFFFFFFE0]  }
0x1a4: {  	s30 =	simm.s32 $0x1D720;
	v1 =	vmul.f32 v1, v1;
	v2 =	vadd.f32 v2, v4;
	v4 =	vsub.f32 v14, v6;
	v3 =	vld [tilespmem:s0+$0xFFFFFFF0]  }
0x1a5: {  	v6 =	vld [tilespmem:s30+$0x0]  }
0x1a6: {  	v1 =	vadd.f32 v1, v2;
	v2 =	vmul.f32 v4, v4;
	v4 =	vsub.f32 v17, v8;
	v9 =	vld [tilespmem:s0+$0x0]  }
0x1a7: {  	v8 =	vld [tilespmem:s30+$0xFFFFFFF0]  }
0x1a8: {  	v1 =	vadd.f32 v2, v1;
	v2 =	vmul.f32 v4, v4;
	v10 =	vld [tilespmem:s30+$0xFFFFFFE0];
	s0 =	simm.s32 $0x40;
	v4 =	vsub.f32 v16, v11  }
0x1a9: {  	s0 =	sand.u32 $0xFC0, s0;
	v7 =	vld.idx.msk [tilespmem:v7+s18+$0x0], $0xffff  }
0x1aa: {  	v1 =	vadd.f32 v2, v1;
	v11 =	vld [tilespmem:s0+$0x3000];
	v2 =	vmul.f32 v4, v4;
	v4 =	vsub.f32 v15, v12  }
0x1ab: {  	v5 =	vld.idx.msk [tilespmem:v5+s18+$0x0], $0xffff  }
0x1ac: {  	s29 =	simm.s32 $0x3070;
	v1 =	vadd.f32 v2, v1;
	v2 =	vmul.f32 v4, v4;
	v62 =	vld.idx.msk [tilespmem:v3+s18+$0x0], $0xffff;
	v3 =	vsub.f32 v18, v13  }
0x1ad: {  	v63 =	vld [tilespmem:s29+$0xFFFFFFE0]  }
0x1ae: {  	v1 =	vadd.f32 v2, v1;
	v9 =	vld.idx.msk [tilespmem:v9+s18+$0x0], $0xffff;
	v2 =	vmul.f32 v3, v3;
	v4 =	vsub.f32 v10, v7  }
0x1af: {  	v7 =	vld [tilespmem:s30+$0x10]  }
0x1b0: {  	v3 =	vld [tilespmem:s29+$0xFFFFFFF0];
	s30 =	simm.s32 $0x1D760;
	v2 =	vadd.f32 v2, v1;
	v5 =	vsub.f32 v8, v5;
	v10 =	vmul.f32 v4, v4  }
0x1b1: {  	v1 =	vld [tilespmem:s30+$0x0]  }
0x1b2: {  	v4 =	vld [tilespmem:s29+$0x0];
	v5 =	vmul.f32 v5, v5;
	v8 =	vadd.f32 v10, v2;
	v10 =	vsub.f32 v6, v62  }
0x1b3: {  	v2 =	vld [tilespmem:s30+$0xFFFFFFF0]  }
0x1b4: {  	v6 =	vld.idx.msk [tilespmem:v11+s18+$0x0], $0xffff;
	v11 =	vsub.f32 v7, v9;
	v5 =	vadd.f32 v5, v8;
	v10 =	vmul.f32 v10, v10  }
0x1b5: {  	s0 =	simm.s32 $0x80;
	v8 =	vld [tilespmem:s30+$0xFFFFFFE0]  }
0x1b6: {  	s0 =	sand.u32 $0xFC0, s0;
	v7 =	vld.idx.msk [tilespmem:v63+s18+$0x0], $0xffff;
	v9 =	vadd.f32 v10, v5;
	v10 =	vmul.f32 v11, v11  }
0x1b7: {  	s31 =	simm.s32 $0xC0;
	v5 =	vld [tilespmem:s0+$0x3000]  }
.LBB2_16:
0x1b8: {  	p1 =	sne.s32 s31, $0xFC0;
	v11 =	vld.idx.msk [tilespmem:v3+s18+$0x0], $0xffff;
	s29 =	sadd.s32 $0x40, s29;
	v9 =	vadd.f32 v10, v9  }
0x1b9: {  	v10 =	vld [tilespmem:s29+$0xFFFFFFE0]  }
0x1ba: {  	v6 =	vsub.f32 v8, v6;
	v8 =	vld.idx.msk [tilespmem:v4+s18+$0x0], $0xffff  }
0x1bb: {  	v12 =	vld [tilespmem:s30+$0x10]  }
0x1bc: {  	v2 =	vsub.f32 v2, v7;
	s30 =	sadd.s32 $0x40, s30;
	v3 =	vld [tilespmem:s29+$0xFFFFFFF0];
	v6 =	vmul.f32 v6, v6  }
0x1bd: {  	v13 =	vld [tilespmem:s30+$0x0]  }
0x1be: {  	v1 =	vsub.f32 v1, v11;
	v4 =	vld [tilespmem:s29+$0x0];
	v7 =	vadd.f32 v6, v9;
	v9 =	vmul.f32 v2, v2  }
.Ltmp7:
0x1bf: {  	v2 =	vld [tilespmem:s30+$0xFFFFFFF0];
	(pc) =	sbr.rel @p1 .LBB2_16-.Ltmp7, $4  }
0x1c0: {  	v14 =	vmul.f32 v1, v1;
	v6 =	vld.idx.msk [tilespmem:v5+s18+$0x0], $0xffff;
	v5 =	vadd.f32 v9, v7;
	v11 =	vsub.f32 v12, v8  }
0x1c1: {  	v8 =	vld [tilespmem:s30+$0xFFFFFFE0]  }
0x1c2: {  	s0 =	sand.u32 $0xFC0, s31;
	v7 =	vld.idx.msk [tilespmem:v10+s18+$0x0], $0xffff;
	v9 =	vadd.f32 v14, v5;
	v10 =	vmul.f32 v11, v11;
	v1 =	vmov v13  }
0x1c3: {  	s31 =	sadd.s32 $0x40, s31;
	v5 =	vld [tilespmem:s0+$0x3000]  }
0x1c4: {  	_ =	sdelay $0x3  }
0x1c5: {  	v3 =	vld.idx.msk [tilespmem:v3+s18+$0x0], $0xffff;
	s0 =	sadd.s32 $0x40, s29  }
0x1c6: {  	v11 =	vld [tilespmem:s0+$0xFFFFFFE0]  }
0x1c7: {  	v4 =	vld.idx.msk [tilespmem:v4+s18+$0x0], $0xffff  }
0x1c8: {  	v12 =	vld [tilespmem:s0+$0xFFFFFFF0]  }
0x1c9: {  	v13 =	vld [tilespmem:s30+$0x10];
	v6 =	vsub.f32 v8, v6  }
0x1ca: {  	s31 =	sadd.s32 $0x40, s30;
	v56 =	vld [tilespmem:s0+$0x0]  }
0x1cb: {  	v9 =	vadd.f32 v10, v9;
	v57 =	vld [tilespmem:s31+$0xFFFFFFE0];
	v2 =	vsub.f32 v2, v7;
	v6 =	vmul.f32 v6, v6  }
0x1cc: {  	v5 =	vld.idx.msk [tilespmem:v5+s18+$0x0], $0xffff  }
0x1cd: {  	v2 =	vmul.f32 v2, v2;
	v1 =	vsub.f32 v1, v3;
	v3 =	vld [tilespmem:s31+$0xFFFFFFF0];
	v6 =	vadd.f32 v6, v9  }
0x1ce: {  	v58 =	vld.idx.msk [tilespmem:v11+s18+$0x0], $0xffff  }
0x1cf: {  	v59 =	vld [tilespmem:s31+$0x0];
	v4 =	vsub.f32 v13, v4;
	v1 =	vmul.f32 v1, v1;
	v2 =	vadd.f32 v2, v6  }
0x1d0: {  	v60 =	vld.idx.msk [tilespmem:v12+s18+$0x0], $0xffff  }
0x1d1: {  	v63 =	vld [tilespmem:s31+$0x10];
	v61 =	vsub.f32 v57, v5;
	v1 =	vadd.f32 v1, v2;
	v2 =	vmul.f32 v4, v4  }
0x1d2: {  	v62 =	vld.idx.msk [tilespmem:v56+s18+$0x0], $0xffff  }
0x1d3: {  	v1 =	vadd.f32 v2, v1;
	v2 =	vmul.f32 v61, v61;
	v3 =	vsub.f32 v3, v58;
	_ =	sdelay $0x1  }
0x1d4: {  	v1 =	vadd.f32 v2, v1;
	v2 =	vmul.f32 v3, v3;
	v3 =	vsub.f32 v59, v60  }
0x1d5: {  	[tilespmem:$0x1E710] =	vst v0  }
0x1d6: {  	[tilespmem:$0x1E720] =	vst v0;
	v1 =	vadd.f32 v2, v1;
	v2 =	vmul.f32 v3, v3;
	v3 =	vsub.f32 v63, v62  }
0x1d7: {  	[tilespmem:$0x1E730] =	vst v0  }
0x1d8: {  	[tilespmem:$0x1E740] =	vst v0;
	v1 =	vadd.f32 v2, v1;
	v2 =	vmul.f32 v3, v3  }
0x1d9: {  	[tilespmem:$0x1E750] =	vst v0  }
0x1da: {  	s28 =	sadd.s32 $0x1, s28;
	[tilespmem:$0x1E760] =	vst v0;
	v1 =	vadd.f32 v2, v1  }
0x1db: {  	p1 =	sne.s32 s28, s15;
	[tilespmem:$0x1E770] =	vst v0  }
.Ltmp8:
0x1dc: {  	[tilespmem:$0x1E700] =	vst v1;
	(pc) =	sbr.rel @p1 .LBB2_1-.Ltmp8, $4  }
0x1dd: {  	[hbm4b:s14+s3] =	stream.linear.scatter [tilespmem:s25], [sflag:$0x5], $0x80, $0x38;
	[tilespmem:$0x1EB80] =	vst v63  }
0x1de: {  	_ =	swait.ge [sflag:s26], $0x80  }
0x1df: {  	[sflag:s26] =	ssyncset.done $0x0  }
0x1e0: {  	[sflag:s26] =	ssyncadd.s32 $0xFFFFFF80  }
0x1e1: {  	_ =	sfence.sel $0x180000  }
0x1e2: {  	[bflag:$0x0] =	sbarrier.arrive $0xFFFF  }
0x1e3: {  	_ =	strace $0x90000047  }
0x1e4: {  	[bflag:$0x2] =	sbarrier.arrive $0xFFFF  }
0x1e5: {  	s0 =	rddreg [dreg:$0x5]  }
0x1e6: {  	s0 =	sadd.s32 @!p0 $0x100000, s0  }
0x1e7: {  	[sflag:s0] =	ssyncadd.tile.s32 @!p0 $0x1;
	_ =	shalt  }
.Lfunc_end2:
_tile_overlayer_lowered:
.L_overlay_start_2:
0x1e8: {  	(tag) =	ssettag $0x2  }
0x1e9: {  	s0 =	rddreg [dreg:$0x0];
	s2 =	stileid.u32  }
0x1ea: {  	s1 =	rddreg [dreg:$0x1];
	p0 =	sne.s32 s2, $0x0  }
0x1eb: {  	s3 =	rddreg [dreg:$0x2];
	[bflag:$0x3] =	sbarrier.arrive $0xFFFF;
	s2 =	simm.s32 @!p0 $0x1C05  }
0x1ec: {  	[timem:s3], [sflag:s2] =	dma.local @!p0 [hbm:s0], s1  }
0x1ed: {  	s0 =	simm.s32 @!p0 $0x5  }
0x1ee: {  	_ =	swait.ge @!p0 [sflag:s0], s1  }
0x1ef: {  	s1 =	ssub.s32 @!p0 $0x0, s1;
	[sflag:s0] =	ssyncset.done @!p0 $0x0  }
0x1f0: {  	[sflag:s0] =	ssyncadd.s32 @!p0 s1  }
0x1f1: {  	[bflag:$0x3] =	sbarrier.arrive $0xFFFF  }
0x1f2: {  	_ =	shalt  }

</sc_bundles>
